<compile_context>
chip_gen: v7x
topology: tpu7x:2x2x1
jax: 0.10.2.dev20260603
libtpu: 0.0.44.dev20260713+nightly
codegen_flags: <defaults>
</compile_context>

<pallas_src>
import functools

import jax
import jax.numpy as jnp
from jax import lax
from jax.experimental import pallas as pl
from jax.experimental.pallas import tpu as pltpu
from jax.experimental.pallas import tpu_sc as plsc

N = 10000
E = 320000
F = 128
G = 16
C = 2

NC = 2
NS = 16
NW = NC * NS
EPT = E // NW
RPT = N // NS
DW = 16

K = 125
NCH = EPT // K
NPAIR = NCH // 2

KD = 100
NCHD = EPT // KD
NPAIRD = NCHD // 2

_vec_mesh = plsc.VectorSubcoreMesh(core_axis_name="c", subcore_axis_name="s")
_sc_params = pltpu.CompilerParams(use_tc_tiling_on_sc=False)



@functools.partial(
    pl.kernel,
    out_type=jax.ShapeDtypeStruct((NC, N, DW), jnp.float32),
    mesh=_vec_mesh,
    scratch_types=[
        pltpu.VMEM((NCHD, KD), jnp.int32),
        pltpu.VMEM((KD, DW), jnp.float32),
        pltpu.VMEM((RPT, DW), jnp.float32),
        pltpu.VMEM_SHARED((N, DW), jnp.float32),
        pltpu.SemaphoreType.DMA,
        pltpu.SemaphoreType.DMA,
    ],
    compiler_params=_sc_params,
)
def _sc_degree(dst_hbm, out_hbm, dst_v, ones_v, zero_v, acc_deg,
               sem_a, sem_b):
    cid = lax.axis_index("c")
    sid = lax.axis_index("s")
    wid = cid * NS + sid

    pltpu.sync_copy(dst_hbm.at[wid], dst_v)

    @pl.loop(0, KD)
    def _(r):
        ones_v[r, :] = jnp.ones((DW,), jnp.float32)

    @pl.loop(0, RPT)
    def _(r):
        zero_v[r, :] = jnp.zeros((DW,), jnp.float32)

    pltpu.sync_copy(zero_v, acc_deg.at[pl.ds(sid * RPT, RPT)])
    plsc.subcore_barrier()

    def dscat_start(q, sem):
        pltpu.async_copy(ones_v, acc_deg.at[dst_v.at[q]], sem, add=True)

    def dscat_wait(sem):
        pltpu.make_async_copy(ones_v, acc_deg.at[pl.ds(0, KD)], sem).wait()

    dscat_start(0, sem_a)

    @pl.loop(0, NPAIRD)
    def _(p):
        dscat_start(2 * p + 1, sem_b)
        dscat_wait(sem_a)

        @pl.when(p < NPAIRD - 1)
        def _():
            dscat_start(2 * p + 2, sem_a)

        dscat_wait(sem_b)

    plsc.subcore_barrier()
    pltpu.sync_copy(acc_deg.at[pl.ds(sid * RPT, RPT)], zero_v)
    pltpu.sync_copy(zero_v, out_hbm.at[cid, pl.ds(sid * RPT, RPT)])


@functools.partial(
    pl.kernel,
    out_type=jax.ShapeDtypeStruct((NC, N, F), jnp.bfloat16),
    mesh=_vec_mesh,
    scratch_types=[
        pltpu.VMEM((NCH, K), jnp.int32),
        pltpu.VMEM((NCH, K), jnp.int32),
        pltpu.VMEM((K, F), jnp.bfloat16),
        pltpu.VMEM((K, F), jnp.bfloat16),
        pltpu.VMEM_SHARED((N, F), jnp.bfloat16),
        pltpu.SemaphoreType.DMA,
        pltpu.SemaphoreType.DMA,
        pltpu.SemaphoreType.DMA,
        pltpu.SemaphoreType.DMA,
    ],
    compiler_params=_sc_params,
)
def _sc_edge_scatter(table_hbm, src_hbm, dst_hbm, out_hbm,
                     src_v, dst_v, rows_a, rows_b, acc,
                     sem_ga, sem_gb, sem_sa, sem_sb):
    cid = lax.axis_index("c")
    sid = lax.axis_index("s")
    wid = cid * NS + sid
    base = sid * RPT

    pltpu.sync_copy(src_hbm.at[wid], src_v)
    pltpu.sync_copy(dst_hbm.at[wid], dst_v)

    @pl.loop(0, K)
    def _(r):
        @pl.loop(0, F // 32)
        def _(j):
            rows_a[r, pl.ds(j * 32, 32)] = jnp.zeros((32,), jnp.bfloat16)

    @pl.loop(0, RPT // K)
    def _(b):
        pltpu.sync_copy(rows_a, acc.at[pl.ds(base + b * K, K)])

    plsc.subcore_barrier()

    def gather_start(q, buf, sem):
        pltpu.async_copy(table_hbm.at[src_v.at[q]], buf, sem)

    def gather_wait(buf, sem):
        pltpu.make_async_copy(table_hbm.at[pl.ds(0, K)], buf, sem).wait()

    def scatter_start(q, buf, sem):
        pltpu.async_copy(buf, acc.at[dst_v.at[q]], sem, add=True)

    def scatter_wait(buf, sem):
        pltpu.make_async_copy(buf, acc.at[pl.ds(0, K)], sem).wait()

    gather_start(0, rows_a, sem_ga)

    @pl.loop(0, NPAIR)
    def _(p):
        gather_wait(rows_a, sem_ga)
        gather_start(2 * p + 1, rows_b, sem_gb)
        scatter_start(2 * p, rows_a, sem_sa)
        gather_wait(rows_b, sem_gb)

        @pl.when(p < NPAIR - 1)
        def _():
            scatter_wait(rows_a, sem_sa)
            gather_start(2 * p + 2, rows_a, sem_ga)

        scatter_start(2 * p + 1, rows_b, sem_sb)
        scatter_wait(rows_b, sem_sb)

        @pl.when(p == NPAIR - 1)
        def _():
            scatter_wait(rows_a, sem_sa)

    plsc.subcore_barrier()

    pltpu.sync_copy(acc.at[pl.ds(base, RPT)],
                    out_hbm.at[cid, pl.ds(base, RPT)])



def _tc_prescale(deg2, x, W1):
    RB = 1000

    def body(deg_ref, x_ref, w_ref, t1d_ref, dinv_ref):
        deg = deg_ref[0, :, 0:1] + deg_ref[1, :, 0:1] + 1.0
        dinv = lax.rsqrt(jnp.maximum(deg, 1.0))
        t = jnp.dot(x_ref[...], w_ref[...], preferred_element_type=jnp.float32)
        t1d_ref[...] = (t * dinv).astype(jnp.bfloat16)
        dinv_ref[...] = dinv

    return pl.pallas_call(
        body,
        grid=(N // RB,),
        in_specs=[
            pl.BlockSpec((NC, RB, DW), lambda i: (0, i, 0)),
            pl.BlockSpec((RB, F), lambda i: (i, 0)),
            pl.BlockSpec((F, F), lambda i: (0, 0)),
        ],
        out_specs=[
            pl.BlockSpec((RB, F), lambda i: (i, 0)),
            pl.BlockSpec((RB, 1), lambda i: (i, 0)),
        ],
        out_shape=[
            jax.ShapeDtypeStruct((N, F), jnp.bfloat16),
            jax.ShapeDtypeStruct((N, 1), jnp.float32),
        ],
    )(deg2, x, W1)


def _tc_combine1(s1, t1d, dinv, b1_8, W2):
    RB = 1000

    def body(s_ref, t1d_ref, dinv_ref, b1_ref, w2_ref, t2d_ref):
        s = (s_ref[0].astype(jnp.float32) + s_ref[1].astype(jnp.float32)
             + t1d_ref[...].astype(jnp.float32))
        h1 = jnp.maximum(s * dinv_ref[...] + b1_ref[0:1, :], 0.0)
        t2 = jnp.dot(h1, w2_ref[...], preferred_element_type=jnp.float32)
        t2d_ref[...] = (t2 * dinv_ref[...]).astype(jnp.bfloat16)

    return pl.pallas_call(
        body,
        grid=(N // RB,),
        in_specs=[
            pl.BlockSpec((NC, RB, F), lambda i: (0, i, 0)),
            pl.BlockSpec((RB, F), lambda i: (i, 0)),
            pl.BlockSpec((RB, 1), lambda i: (i, 0)),
            pl.BlockSpec((8, F), lambda i: (0, 0)),
            pl.BlockSpec((F, F), lambda i: (0, 0)),
        ],
        out_specs=pl.BlockSpec((RB, F), lambda i: (i, 0)),
        out_shape=jax.ShapeDtypeStruct((N, F), jnp.bfloat16),
    )(s1, t1d, dinv, b1_8, W2)


def _tc_head(s2, t2d, dinv, batch_col, b2_8, Wa8, ba_8, Wl1, bl1_8,
             Wl2, bl2_8, Wc128, bc_8):

    def body(s_ref, t2d_ref, dinv_ref, batch_ref, b2_ref, wa_ref, ba_ref,
             wl1_ref, bl1_ref, wl2_ref, bl2_ref, wc_ref, bc_ref, o_ref):
        h2 = ((s_ref[0].astype(jnp.float32) + s_ref[1].astype(jnp.float32)
               + t2d_ref[...].astype(jnp.float32)) * dinv_ref[...]
              + b2_ref[0:1, :])
        a8 = jnp.dot(h2, wa_ref[...], preferred_element_type=jnp.float32)
        a = a8[:, 0:1] + ba_ref[0:1, 0:1]
        a = jnp.where(a >= 0.0, a, 0.01 * a)
        m = jnp.max(a)
        ex = jnp.exp(a - m)
        z_norm = jnp.sum(ex)
        seg = lax.broadcasted_iota(jnp.int32, (N, G), 1)
        mask = (batch_ref[...] == seg).astype(jnp.float32)
        counts = jnp.sum(mask, axis=0)
        mw = mask * ex
        pooled_sum = lax.dot_general(
            mw, h2, (((0,), (0,)), ((), ())),
            preferred_element_type=jnp.float32)
        denom = z_norm * jnp.maximum(counts, 1.0)
        pooled = pooled_sum / denom[:, None]
        z = jnp.maximum(
            jnp.dot(pooled, wl1_ref[...], preferred_element_type=jnp.float32)
            + bl1_ref[0:1, :], 0.0)
        z = jnp.maximum(
            jnp.dot(z, wl2_ref[...], preferred_element_type=jnp.float32)
            + bl2_ref[0:1, :], 0.0)
        logits = (jnp.dot(z, wc_ref[...], preferred_element_type=jnp.float32)
                  + bc_ref[0:1, :])[:, 0:C]
        lmax = jnp.max(logits, axis=1, keepdims=True)
        le = jnp.exp(logits - lmax)
        o_ref[...] = le / jnp.sum(le, axis=1, keepdims=True)

    full = lambda shape: pl.BlockSpec(shape, lambda i: tuple(0 for _ in shape))
    return pl.pallas_call(
        body,
        grid=(1,),
        in_specs=[
            full((NC, N, F)),
            full((N, F)),
            full((N, 1)),
            full((N, 1)),
            full((8, F)),
            full((F, 8)),
            full((8, F)),
            full((F, F)),
            full((8, F)),
            full((F, F)),
            full((8, F)),
            full((F, F)),
            full((8, F)),
        ],
        out_specs=full((G, C)),
        out_shape=jax.ShapeDtypeStruct((G, C), jnp.float32),
    )(s2, t2d, dinv, batch_col, b2_8, Wa8, ba_8, Wl1, bl1_8, Wl2, bl2_8,
      Wc128, bc_8)



def kernel(x, edge_index, batch, W1, b1, W2, b2, Wa, ba, Wl1, bl1, Wl2, bl2,
           Wc, bc):
    src3 = edge_index[0].astype(jnp.int32).reshape(NW, NCH, K)
    dst3 = edge_index[1].astype(jnp.int32).reshape(NW, NCH, K)
    dst3d = edge_index[1].astype(jnp.int32).reshape(NW, NCHD, KD)
    batch_col = batch.astype(jnp.int32).reshape(N, 1)

    b1_8 = jnp.broadcast_to(b1[None, :], (8, F))
    b2_8 = jnp.broadcast_to(b2[None, :], (8, F))
    bl1_8 = jnp.broadcast_to(bl1[None, :], (8, F))
    bl2_8 = jnp.broadcast_to(bl2[None, :], (8, F))
    ba_8 = jnp.broadcast_to(jnp.reshape(ba, (1, 1)), (8, F))
    bc_8 = jnp.broadcast_to(jnp.pad(bc, (0, F - C))[None, :], (8, F))
    Wa8 = jnp.pad(Wa, ((0, 0), (0, 7)))
    Wc128 = jnp.pad(Wc, ((0, 0), (0, F - C)))

    deg2 = _sc_degree(dst3d)
    t1d, dinv = _tc_prescale(deg2, x, W1)
    s1 = _sc_edge_scatter(t1d, src3, dst3)
    t2d = _tc_combine1(s1, t1d, dinv, b1_8, W2)
    s2 = _sc_edge_scatter(t2d, src3, dst3)
    return _tc_head(s2, t2d, dinv, batch_col, b2_8, Wa8, ba_8, Wl1, bl1_8,
                    Wl2, bl2_8, Wc128, bc_8)

# --- scband reference (transcript-rebuilt; emitter-appended) ---
"""Pipeline reference for scband-gcnwith-attention-81527069212874 (READ-ONLY COPY).

The authoritative reference and input builder live on the scoring server;
editing this copy changes nothing except your own understanding.
"""

import jax, jax.numpy as jnp
import numpy as np

N = 10000
E = 320000
F_IN = 128
H = 128
C = 2
G = 16


def gcn_conv(x, edge_index, W, b, num_nodes):
    # PyG GCNConv: out = D^{-1/2} (A + I) D^{-1/2} X W + b
    src = edge_index[0]
    dst = edge_index[1]
    loop = jnp.arange(num_nodes, dtype=src.dtype)
    src = jnp.concatenate([src, loop])
    dst = jnp.concatenate([dst, loop])
    h = x @ W
    deg = jnp.zeros((num_nodes,), dtype=h.dtype).at[dst].add(1.0)
    dinv = jax.lax.rsqrt(jnp.maximum(deg, 1.0))
    norm = dinv[src] * dinv[dst]
    msg = h[src] * norm[:, None]
    out = jnp.zeros_like(h).at[dst].add(msg)
    return out + b


def setup_inputs(seed: int = 0) -> dict:
    key = jax.random.key(seed)
    ks = jax.random.split(key, 16)
    x = jax.random.normal(ks[0], (N, F_IN), dtype=jnp.float32)
    edge_index = jax.random.randint(ks[1], (2, E), 0, N, dtype=jnp.int64)
    batch = jnp.sort(jax.random.randint(ks[2], (N,), 0, G, dtype=jnp.int64))
    W1 = jax.random.normal(ks[3], (F_IN, H), dtype=jnp.float32) * 0.1
    b1 = jnp.zeros((H,), dtype=jnp.float32)
    W2 = jax.random.normal(ks[4], (H, H), dtype=jnp.float32) * 0.1
    b2 = jnp.zeros((H,), dtype=jnp.float32)
    Wa = jax.random.normal(ks[5], (H, 1), dtype=jnp.float32) * 0.1
    ba = jnp.zeros((1,), dtype=jnp.float32)
    Wl1 = jax.random.normal(ks[6], (H, 128), dtype=jnp.float32) * 0.1
    bl1 = jnp.zeros((128,), dtype=jnp.float32)
    Wl2 = jax.random.normal(ks[7], (128, 128), dtype=jnp.float32) * 0.1
    bl2 = jnp.zeros((128,), dtype=jnp.float32)
    Wc = jax.random.normal(ks[8], (128, C), dtype=jnp.float32) * 0.1
    bc = jnp.zeros((C,), dtype=jnp.float32)
    return {"x": x, "edge_index": edge_index, "batch": batch,
            "W1": W1, "b1": b1, "W2": W2, "b2": b2,
            "Wa": Wa, "ba": ba, "Wl1": Wl1, "bl1": bl1,
            "Wl2": Wl2, "bl2": bl2, "Wc": Wc, "bc": bc}


def reference(x, edge_index, batch, W1, b1, W2, b2, Wa, ba, Wl1, bl1, Wl2, bl2, Wc, bc):
    h = gcn_conv(x, edge_index, W1, b1, N)
    h = jax.nn.relu(h)
    h = gcn_conv(h, edge_index, W2, b2, N)
    attn = jax.nn.leaky_relu(h @ Wa + ba, negative_slope=0.01)
    attn = jax.nn.softmax(attn, axis=0)
    h = h * attn
    # global mean pool over batch segment ids
    sums = jnp.zeros((G, h.shape[1]), dtype=h.dtype).at[batch].add(h)
    counts = jnp.zeros((G,), dtype=h.dtype).at[batch].add(1.0)
    pooled = sums / jnp.maximum(counts, 1.0)[:, None]
    z = jax.nn.relu(pooled @ Wl1 + bl1)
    z = jax.nn.relu(z @ Wl2 + bl2)
    # dropout p=0.5 in eval mode -> identity
    logits = z @ Wc + bc
    return jax.nn.softmax(logits, axis=1)

if __name__ == "__main__":
    import jax
    _d = setup_inputs()
    print(jax.jit(kernel)(*tuple(_d.values())))

</pallas_src>

<mosaic_0001>
#map = affine_map<(d0, d1) -> (0, 0)>
#map1 = affine_map<(d0, d1) -> (0, 0, 0)>
module attributes {stable_mosaic.version = 14 : i64} {
  func.func @_sc_edge_scatter(%arg0: i32, %arg1: i32, %arg2: memref<10000x128xbf16, #tpu.memory_space<hbm>>, %arg3: memref<32x80x125xi32, #tpu.memory_space<hbm>>, %arg4: memref<32x80x125xi32, #tpu.memory_space<hbm>>, %arg5: memref<2x10000x128xbf16, #tpu.memory_space<hbm>>, %arg6: memref<80x125xi32, #tpu.memory_space<vmem>>, %arg7: memref<80x125xi32, #tpu.memory_space<vmem>>, %arg8: memref<125x128xbf16, #tpu.memory_space<vmem>>, %arg9: memref<125x128xbf16, #tpu.memory_space<vmem>>, %arg10: memref<10000x128xbf16, #tpu.memory_space<vmem_shared>>, %arg11: memref<!tpu.dma_semaphore, #tpu.memory_space<semaphore_mem>>, %arg12: memref<!tpu.dma_semaphore, #tpu.memory_space<semaphore_mem>>, %arg13: memref<!tpu.dma_semaphore, #tpu.memory_space<semaphore_mem>>, %arg14: memref<!tpu.dma_semaphore, #tpu.memory_space<semaphore_mem>>) attributes {dimension_semantics = [#tpu.dimension_semantics<core_parallel>, #tpu.dimension_semantics<subcore_parallel>], iteration_bounds = array<i64: 2, 16>, scalar_prefetch = 0 : i64, scratch_operands = 9 : i64, tpu.core_type = #tpu.core_type<sc_vector_subcore>, window_params = [{transform_indices = #map}, {transform_indices = #map1}, {transform_indices = #map1}, {transform_indices = #map1}]} {
    %mul3A = arith.constant 16 : i32
    %mul3A_0 = arith.muli %arg0, %mul3A : i32
    %add3A = arith.addi %mul3A_0, %arg1 : i32
    %mul3A_1 = arith.constant 625 : i32
    %mul3A_2 = arith.muli %arg1, %mul3A_1 : i32
    "tpu.region"() ({
      %run_scoped3A = tpu.sem_alloc : memref<!tpu.dma_semaphore, #tpu.memory_space<semaphore_mem>>
      %dma_start3A_24 = arith.constant 0 : i32
      %dma_start3A_25 = arith.constant 0 : i32
      %dma_start3A_26 = tpu.memref_slice %arg3[%add3A, %dma_start3A_24, %dma_start3A_25] : memref<32x80x125xi32, #tpu.memory_space<hbm>> -> memref<1x80x125xi32, #tpu.memory_space<hbm>>
      %dma_start3A_27 = tpu.memref_squeeze %dma_start3A_26 : memref<1x80x125xi32, #tpu.memory_space<hbm>> -> memref<80x125xi32, #tpu.memory_space<hbm>>
      %dma_start3A_28 = arith.constant 0 : i32
      %dma_start3A_29 = arith.constant 0 : i32
      %dma_start3A_30 = tpu.memref_slice %arg3[%add3A, %dma_start3A_28, %dma_start3A_29] : memref<32x80x125xi32, #tpu.memory_space<hbm>> -> memref<1x80x125xi32, #tpu.memory_space<hbm>>
      %dma_start3A_31 = tpu.memref_squeeze %dma_start3A_30 : memref<1x80x125xi32, #tpu.memory_space<hbm>> -> memref<80x125xi32, #tpu.memory_space<hbm>>
      tpu.enqueue_dma source(%dma_start3A_31 : memref<80x125xi32, #tpu.memory_space<hbm>>) target(%arg6 : memref<80x125xi32, #tpu.memory_space<vmem>>) target_semaphore(%run_scoped3A : memref<!tpu.dma_semaphore, #tpu.memory_space<semaphore_mem>>)
      %dma_wait3A = arith.constant 0 : i32
      %dma_wait3A_32 = arith.constant 0 : i32
      %dma_wait3A_33 = tpu.memref_slice %arg3[%add3A, %dma_wait3A, %dma_wait3A_32] : memref<32x80x125xi32, #tpu.memory_space<hbm>> -> memref<1x80x125xi32, #tpu.memory_space<hbm>>
      %dma_wait3A_34 = tpu.memref_squeeze %dma_wait3A_33 : memref<1x80x125xi32, #tpu.memory_space<hbm>> -> memref<80x125xi32, #tpu.memory_space<hbm>>
      %dma_wait3A_35 = arith.constant 0 : i32
      %dma_wait3A_36 = arith.constant 0 : i32
      %dma_wait3A_37 = tpu.memref_slice %arg3[%add3A, %dma_wait3A_35, %dma_wait3A_36] : memref<32x80x125xi32, #tpu.memory_space<hbm>> -> memref<1x80x125xi32, #tpu.memory_space<hbm>>
      %dma_wait3A_38 = tpu.memref_squeeze %dma_wait3A_37 : memref<1x80x125xi32, #tpu.memory_space<hbm>> -> memref<80x125xi32, #tpu.memory_space<hbm>>
      tpu.wait_dma2 semaphore(%run_scoped3A : memref<!tpu.dma_semaphore, #tpu.memory_space<semaphore_mem>>) src(%dma_wait3A_38 : memref<80x125xi32, #tpu.memory_space<hbm>>) dst(%arg6 : memref<80x125xi32, #tpu.memory_space<vmem>>)
      tpu.yield
    }) : () -> ()
    "tpu.region"() ({
      %run_scoped3A = tpu.sem_alloc : memref<!tpu.dma_semaphore, #tpu.memory_space<semaphore_mem>>
      %dma_start3A_24 = arith.constant 0 : i32
      %dma_start3A_25 = arith.constant 0 : i32
      %dma_start3A_26 = tpu.memref_slice %arg4[%add3A, %dma_start3A_24, %dma_start3A_25] : memref<32x80x125xi32, #tpu.memory_space<hbm>> -> memref<1x80x125xi32, #tpu.memory_space<hbm>>
      %dma_start3A_27 = tpu.memref_squeeze %dma_start3A_26 : memref<1x80x125xi32, #tpu.memory_space<hbm>> -> memref<80x125xi32, #tpu.memory_space<hbm>>
      %dma_start3A_28 = arith.constant 0 : i32
      %dma_start3A_29 = arith.constant 0 : i32
      %dma_start3A_30 = tpu.memref_slice %arg4[%add3A, %dma_start3A_28, %dma_start3A_29] : memref<32x80x125xi32, #tpu.memory_space<hbm>> -> memref<1x80x125xi32, #tpu.memory_space<hbm>>
      %dma_start3A_31 = tpu.memref_squeeze %dma_start3A_30 : memref<1x80x125xi32, #tpu.memory_space<hbm>> -> memref<80x125xi32, #tpu.memory_space<hbm>>
      tpu.enqueue_dma source(%dma_start3A_31 : memref<80x125xi32, #tpu.memory_space<hbm>>) target(%arg7 : memref<80x125xi32, #tpu.memory_space<vmem>>) target_semaphore(%run_scoped3A : memref<!tpu.dma_semaphore, #tpu.memory_space<semaphore_mem>>)
      %dma_wait3A = arith.constant 0 : i32
      %dma_wait3A_32 = arith.constant 0 : i32
      %dma_wait3A_33 = tpu.memref_slice %arg4[%add3A, %dma_wait3A, %dma_wait3A_32] : memref<32x80x125xi32, #tpu.memory_space<hbm>> -> memref<1x80x125xi32, #tpu.memory_space<hbm>>
      %dma_wait3A_34 = tpu.memref_squeeze %dma_wait3A_33 : memref<1x80x125xi32, #tpu.memory_space<hbm>> -> memref<80x125xi32, #tpu.memory_space<hbm>>
      %dma_wait3A_35 = arith.constant 0 : i32
      %dma_wait3A_36 = arith.constant 0 : i32
      %dma_wait3A_37 = tpu.memref_slice %arg4[%add3A, %dma_wait3A_35, %dma_wait3A_36] : memref<32x80x125xi32, #tpu.memory_space<hbm>> -> memref<1x80x125xi32, #tpu.memory_space<hbm>>
      %dma_wait3A_38 = tpu.memref_squeeze %dma_wait3A_37 : memref<1x80x125xi32, #tpu.memory_space<hbm>> -> memref<80x125xi32, #tpu.memory_space<hbm>>
      tpu.wait_dma2 semaphore(%run_scoped3A : memref<!tpu.dma_semaphore, #tpu.memory_space<semaphore_mem>>) src(%dma_wait3A_38 : memref<80x125xi32, #tpu.memory_space<hbm>>) dst(%arg7 : memref<80x125xi32, #tpu.memory_space<vmem>>)
      tpu.yield
    }) : () -> ()
    %scan3A = arith.constant 0 : i32
    %scan3A_3 = arith.constant 125 : i32
    %scan3A_4 = arith.addi %scan3A, %scan3A_3 : i32
    %scan3A_5 = arith.constant 1 : i32
    scf.for %scan3A_24 = %scan3A to %scan3A_4 step %scan3A_5  : i32 {
      %mul3A_25 = arith.constant 1 : i32
      %mul3A_26 = arith.muli %scan3A_24, %mul3A_25 : i32
      %add3A_27 = arith.constant 0 : i32
      %add3A_28 = arith.addi %add3A_27, %mul3A_26 : i32
      %scan3A_29 = arith.constant 0 : i32
      %scan3A_30 = arith.constant 4 : i32
      %scan3A_31 = arith.addi %scan3A_29, %scan3A_30 : i32
      %scan3A_32 = arith.constant 1 : i32
      scf.for %scan3A_34 = %scan3A_29 to %scan3A_31 step %scan3A_32  : i32 {
        %mul3A_35 = arith.constant 1 : i32
        %mul3A_36 = arith.muli %scan3A_34, %mul3A_35 : i32
        %add3A_37 = arith.constant 0 : i32
        %add3A_38 = arith.addi %add3A_37, %mul3A_36 : i32
        %broadcast_in_dim3A = arith.constant 0.000000e+00 : bf16
        %broadcast_in_dim3A_39 = vector.broadcast %broadcast_in_dim3A : bf16 to vector<32xbf16>
        %mul3A_40 = arith.constant 32 : i32
        %mul3A_41 = arith.muli %add3A_38, %mul3A_40 : i32
        %swap3A = arith.index_cast %add3A_28 : i32 to index
        %swap3A_42 = arith.index_cast %mul3A_41 : i32 to index
        %swap3A_43 = tpu.vector_load %arg8[%swap3A, %swap3A_42] {strides = array<i32>} : memref<125x128xbf16, #tpu.memory_space<vmem>>, vector<1x32xbf16>,
        %swap3A_44 = vector.shape_cast %swap3A_43 : vector<1x32xbf16> to vector<32xbf16>
        %swap3A_45 = vector.shape_cast %broadcast_in_dim3A_39 : vector<32xbf16> to vector<1x32xbf16>
        tpu.vector_store %arg8[%swap3A, %swap3A_42], %swap3A_45 {strides = array<i32>} : memref<125x128xbf16, #tpu.memory_space<vmem>>, vector<1x32xbf16>,
      }
      %scan3A_33 = arith.constant 4 : i32
    }
    %scan3A_6 = arith.constant 125 : i32
    %scan3A_7 = arith.constant 0 : i32
    %scan3A_8 = arith.constant 5 : i32
    %scan3A_9 = arith.addi %scan3A_7, %scan3A_8 : i32
    %scan3A_10 = arith.constant 1 : i32
    scf.for %scan3A_24 = %scan3A_7 to %scan3A_9 step %scan3A_10  : i32 {
      %mul3A_25 = arith.constant 1 : i32
      %mul3A_26 = arith.muli %scan3A_24, %mul3A_25 : i32
      %add3A_27 = arith.constant 0 : i32
      %add3A_28 = arith.addi %add3A_27, %mul3A_26 : i32
      %mul3A_29 = arith.constant 125 : i32
      %mul3A_30 = arith.muli %add3A_28, %mul3A_29 : i32
      %add3A_31 = arith.addi %mul3A_2, %mul3A_30 : i32
      "tpu.region"() ({
        %run_scoped3A = tpu.sem_alloc : memref<!tpu.dma_semaphore, #tpu.memory_space<semaphore_mem>>
        %dma_start3A_32 = arith.constant 0 : i32
        %dma_start3A_33 = tpu.memref_slice %arg10[%add3A_31, %dma_start3A_32] : memref<10000x128xbf16, #tpu.memory_space<vmem_shared>> -> memref<125x128xbf16, #tpu.memory_space<vmem_shared>>
        %dma_start3A_34 = arith.constant 0 : i32
        %dma_start3A_35 = tpu.memref_slice %arg10[%add3A_31, %dma_start3A_34] : memref<10000x128xbf16, #tpu.memory_space<vmem_shared>> -> memref<125x128xbf16, #tpu.memory_space<vmem_shared>>
        tpu.enqueue_dma source(%arg8 : memref<125x128xbf16, #tpu.memory_space<vmem>>) target(%dma_start3A_35 : memref<125x128xbf16, #tpu.memory_space<vmem_shared>>) target_semaphore(%run_scoped3A : memref<!tpu.dma_semaphore, #tpu.memory_space<semaphore_mem>>)
        %dma_wait3A = arith.constant 0 : i32
        %dma_wait3A_36 = tpu.memref_slice %arg10[%add3A_31, %dma_wait3A] : memref<10000x128xbf16, #tpu.memory_space<vmem_shared>> -> memref<125x128xbf16, #tpu.memory_space<vmem_shared>>
        %dma_wait3A_37 = arith.constant 0 : i32
        %dma_wait3A_38 = tpu.memref_slice %arg10[%add3A_31, %dma_wait3A_37] : memref<10000x128xbf16, #tpu.memory_space<vmem_shared>> -> memref<125x128xbf16, #tpu.memory_space<vmem_shared>>
        tpu.wait_dma2 semaphore(%run_scoped3A : memref<!tpu.dma_semaphore, #tpu.memory_space<semaphore_mem>>) src(%arg8 : memref<125x128xbf16, #tpu.memory_space<vmem>>) dst(%dma_wait3A_38 : memref<125x128xbf16, #tpu.memory_space<vmem_shared>>)
        tpu.yield
      }) : () -> ()
    }
    %scan3A_11 = arith.constant 5 : i32
    %barrier3A = arith.constant 0 : index
    tpu.barrier barrier_id(%barrier3A)
    %dma_start3A = arith.constant 0 : i32
    %dma_start3A_12 = arith.constant 0 : i32
    %dma_start3A_13 = tpu.memref_slice %arg6[%dma_start3A, %dma_start3A_12] : memref<80x125xi32, #tpu.memory_space<vmem>> -> memref<1x125xi32, #tpu.memory_space<vmem>>
    %dma_start3A_14 = tpu.memref_squeeze %dma_start3A_13 : memref<1x125xi32, #tpu.memory_space<vmem>> -> memref<125xi32, #tpu.memory_space<vmem>>
    %dma_start3A_15 = arith.constant 0 : i32
    %dma_start3A_16 = arith.constant 0 : i32
    %dma_start3A_17 = tpu.memref_slice %arg2[%dma_start3A_15, %dma_start3A_16] : memref<10000x128xbf16, #tpu.memory_space<hbm>> -> memref<10000x128xbf16, #tpu.memory_space<hbm>>
    tpu.enqueue_indirect_dma source(%dma_start3A_17 : memref<10000x128xbf16, #tpu.memory_space<hbm>>) target(%arg8 : memref<125x128xbf16, #tpu.memory_space<vmem>>) offsets(%dma_start3A_14 : memref<125xi32, #tpu.memory_space<vmem>>) semaphore(%arg11 : memref<!tpu.dma_semaphore, #tpu.memory_space<semaphore_mem>>)
    %scan3A_18 = arith.constant 0 : i32
    %scan3A_19 = arith.constant 40 : i32
    %scan3A_20 = arith.addi %scan3A_18, %scan3A_19 : i32
    %scan3A_21 = arith.constant 1 : i32
    scf.for %scan3A_24 = %scan3A_18 to %scan3A_20 step %scan3A_21  : i32 {
      %mul3A_25 = arith.constant 1 : i32
      %mul3A_26 = arith.muli %scan3A_24, %mul3A_25 : i32
      %add3A_27 = arith.constant 0 : i32
      %add3A_28 = arith.addi %add3A_27, %mul3A_26 : i32
      %dma_wait3A = arith.constant 0 : i32
      %dma_wait3A_29 = arith.constant 0 : i32
      %dma_wait3A_30 = tpu.memref_slice %arg2[%dma_wait3A, %dma_wait3A_29] : memref<10000x128xbf16, #tpu.memory_space<hbm>> -> memref<125x128xbf16, #tpu.memory_space<hbm>>
      %dma_wait3A_31 = arith.constant 0 : i32
      %dma_wait3A_32 = arith.constant 0 : i32
      %dma_wait3A_33 = tpu.memref_slice %arg2[%dma_wait3A_31, %dma_wait3A_32] : memref<10000x128xbf16, #tpu.memory_space<hbm>> -> memref<125x128xbf16, #tpu.memory_space<hbm>>
      tpu.wait_dma2 semaphore(%arg11 : memref<!tpu.dma_semaphore, #tpu.memory_space<semaphore_mem>>) src(%dma_wait3A_33 : memref<125x128xbf16, #tpu.memory_space<hbm>>) dst(%arg8 : memref<125x128xbf16, #tpu.memory_space<vmem>>)
      %mul3A_34 = arith.constant 2 : i32
      %mul3A_35 = arith.muli %mul3A_34, %add3A_28 : i32
      %add3A_36 = arith.constant 1 : i32
      %add3A_37 = arith.addi %mul3A_35, %add3A_36 : i32
      %dma_start3A_38 = arith.constant 0 : i32
      %dma_start3A_39 = tpu.memref_slice %arg6[%add3A_37, %dma_start3A_38] : memref<80x125xi32, #tpu.memory_space<vmem>> -> memref<1x125xi32, #tpu.memory_space<vmem>>
      %dma_start3A_40 = tpu.memref_squeeze %dma_start3A_39 : memref<1x125xi32, #tpu.memory_space<vmem>> -> memref<125xi32, #tpu.memory_space<vmem>>
      %dma_start3A_41 = arith.constant 0 : i32
      %dma_start3A_42 = arith.constant 0 : i32
      %dma_start3A_43 = tpu.memref_slice %arg2[%dma_start3A_41, %dma_start3A_42] : memref<10000x128xbf16, #tpu.memory_space<hbm>> -> memref<10000x128xbf16, #tpu.memory_space<hbm>>
      tpu.enqueue_indirect_dma source(%dma_start3A_43 : memref<10000x128xbf16, #tpu.memory_space<hbm>>) target(%arg9 : memref<125x128xbf16, #tpu.memory_space<vmem>>) offsets(%dma_start3A_40 : memref<125xi32, #tpu.memory_space<vmem>>) semaphore(%arg12 : memref<!tpu.dma_semaphore, #tpu.memory_space<semaphore_mem>>)
      %mul3A_44 = arith.constant 2 : i32
      %mul3A_45 = arith.muli %mul3A_44, %add3A_28 : i32
      %dma_start3A_46 = arith.constant 0 : i32
      %dma_start3A_47 = tpu.memref_slice %arg7[%mul3A_45, %dma_start3A_46] : memref<80x125xi32, #tpu.memory_space<vmem>> -> memref<1x125xi32, #tpu.memory_space<vmem>>
      %dma_start3A_48 = tpu.memref_squeeze %dma_start3A_47 : memref<1x125xi32, #tpu.memory_space<vmem>> -> memref<125xi32, #tpu.memory_space<vmem>>
      %dma_start3A_49 = arith.constant 0 : i32
      %dma_start3A_50 = arith.constant 0 : i32
      %dma_start3A_51 = tpu.memref_slice %arg10[%dma_start3A_49, %dma_start3A_50] : memref<10000x128xbf16, #tpu.memory_space<vmem_shared>> -> memref<10000x128xbf16, #tpu.memory_space<vmem_shared>>
      tpu.enqueue_indirect_dma source(%arg8 : memref<125x128xbf16, #tpu.memory_space<vmem>>) target(%dma_start3A_51 : memref<10000x128xbf16, #tpu.memory_space<vmem_shared>>) offsets(%dma_start3A_48 : memref<125xi32, #tpu.memory_space<vmem>>) semaphore(%arg13 : memref<!tpu.dma_semaphore, #tpu.memory_space<semaphore_mem>>) {add = true}
      %dma_wait3A_52 = arith.constant 0 : i32
      %dma_wait3A_53 = arith.constant 0 : i32
      %dma_wait3A_54 = tpu.memref_slice %arg2[%dma_wait3A_52, %dma_wait3A_53] : memref<10000x128xbf16, #tpu.memory_space<hbm>> -> memref<125x128xbf16, #tpu.memory_space<hbm>>
      %dma_wait3A_55 = arith.constant 0 : i32
      %dma_wait3A_56 = arith.constant 0 : i32
      %dma_wait3A_57 = tpu.memref_slice %arg2[%dma_wait3A_55, %dma_wait3A_56] : memref<10000x128xbf16, #tpu.memory_space<hbm>> -> memref<125x128xbf16, #tpu.memory_space<hbm>>
      tpu.wait_dma2 semaphore(%arg12 : memref<!tpu.dma_semaphore, #tpu.memory_space<semaphore_mem>>) src(%dma_wait3A_57 : memref<125x128xbf16, #tpu.memory_space<hbm>>) dst(%arg9 : memref<125x128xbf16, #tpu.memory_space<vmem>>)
      %lt3A = arith.constant 39 : i32
      %lt3A_58 = arith.cmpi slt, %add3A_28, %lt3A : i32
      %convert_element_type3A = arith.extui %lt3A_58 : i1 to i32
      %cond3A = arith.constant 0 : i32
      %cond3A_59 = arith.cmpi ne, %convert_element_type3A, %cond3A : i32
      scf.if %cond3A_59 {
        %dma_wait3A_80 = arith.constant 0 : i32
        %dma_wait3A_81 = arith.constant 0 : i32
        %dma_wait3A_82 = tpu.memref_slice %arg10[%dma_wait3A_80, %dma_wait3A_81] : memref<10000x128xbf16, #tpu.memory_space<vmem_shared>> -> memref<125x128xbf16, #tpu.memory_space<vmem_shared>>
        %dma_wait3A_83 = arith.constant 0 : i32
        %dma_wait3A_84 = arith.constant 0 : i32
        %dma_wait3A_85 = tpu.memref_slice %arg10[%dma_wait3A_83, %dma_wait3A_84] : memref<10000x128xbf16, #tpu.memory_space<vmem_shared>> -> memref<125x128xbf16, #tpu.memory_space<vmem_shared>>
        tpu.wait_dma2 semaphore(%arg13 : memref<!tpu.dma_semaphore, #tpu.memory_space<semaphore_mem>>) src(%arg8 : memref<125x128xbf16, #tpu.memory_space<vmem>>) dst(%dma_wait3A_85 : memref<125x128xbf16, #tpu.memory_space<vmem_shared>>)
        %mul3A_86 = arith.constant 2 : i32
        %mul3A_87 = arith.muli %mul3A_86, %add3A_28 : i32
        %add3A_88 = arith.constant 2 : i32
        %add3A_89 = arith.addi %mul3A_87, %add3A_88 : i32
        %dma_start3A_90 = arith.constant 0 : i32
        %dma_start3A_91 = tpu.memref_slice %arg6[%add3A_89, %dma_start3A_90] : memref<80x125xi32, #tpu.memory_space<vmem>> -> memref<1x125xi32, #tpu.memory_space<vmem>>
        %dma_start3A_92 = tpu.memref_squeeze %dma_start3A_91 : memref<1x125xi32, #tpu.memory_space<vmem>> -> memref<125xi32, #tpu.memory_space<vmem>>
        %dma_start3A_93 = arith.constant 0 : i32
        %dma_start3A_94 = arith.constant 0 : i32
        %dma_start3A_95 = tpu.memref_slice %arg2[%dma_start3A_93, %dma_start3A_94] : memref<10000x128xbf16, #tpu.memory_space<hbm>> -> memref<10000x128xbf16, #tpu.memory_space<hbm>>
        tpu.enqueue_indirect_dma source(%dma_start3A_95 : memref<10000x128xbf16, #tpu.memory_space<hbm>>) target(%arg8 : memref<125x128xbf16, #tpu.memory_space<vmem>>) offsets(%dma_start3A_92 : memref<125xi32, #tpu.memory_space<vmem>>) semaphore(%arg11 : memref<!tpu.dma_semaphore, #tpu.memory_space<semaphore_mem>>)
      } else {
      }
      %mul3A_60 = arith.constant 2 : i32
      %mul3A_61 = arith.muli %mul3A_60, %add3A_28 : i32
      %add3A_62 = arith.constant 1 : i32
      %add3A_63 = arith.addi %mul3A_61, %add3A_62 : i32
      %dma_start3A_64 = arith.constant 0 : i32
      %dma_start3A_65 = tpu.memref_slice %arg7[%add3A_63, %dma_start3A_64] : memref<80x125xi32, #tpu.memory_space<vmem>> -> memref<1x125xi32, #tpu.memory_space<vmem>>
      %dma_start3A_66 = tpu.memref_squeeze %dma_start3A_65 : memref<1x125xi32, #tpu.memory_space<vmem>> -> memref<125xi32, #tpu.memory_space<vmem>>
      %dma_start3A_67 = arith.constant 0 : i32
      %dma_start3A_68 = arith.constant 0 : i32
      %dma_start3A_69 = tpu.memref_slice %arg10[%dma_start3A_67, %dma_start3A_68] : memref<10000x128xbf16, #tpu.memory_space<vmem_shared>> -> memref<10000x128xbf16, #tpu.memory_space<vmem_shared>>
      tpu.enqueue_indirect_dma source(%arg9 : memref<125x128xbf16, #tpu.memory_space<vmem>>) target(%dma_start3A_69 : memref<10000x128xbf16, #tpu.memory_space<vmem_shared>>) offsets(%dma_start3A_66 : memref<125xi32, #tpu.memory_space<vmem>>) semaphore(%arg14 : memref<!tpu.dma_semaphore, #tpu.memory_space<semaphore_mem>>) {add = true}
      %dma_wait3A_70 = arith.constant 0 : i32
      %dma_wait3A_71 = arith.constant 0 : i32
      %dma_wait3A_72 = tpu.memref_slice %arg10[%dma_wait3A_70, %dma_wait3A_71] : memref<10000x128xbf16, #tpu.memory_space<vmem_shared>> -> memref<125x128xbf16, #tpu.memory_space<vmem_shared>>
      %dma_wait3A_73 = arith.constant 0 : i32
      %dma_wait3A_74 = arith.constant 0 : i32
      %dma_wait3A_75 = tpu.memref_slice %arg10[%dma_wait3A_73, %dma_wait3A_74] : memref<10000x128xbf16, #tpu.memory_space<vmem_shared>> -> memref<125x128xbf16, #tpu.memory_space<vmem_shared>>
      tpu.wait_dma2 semaphore(%arg14 : memref<!tpu.dma_semaphore, #tpu.memory_space<semaphore_mem>>) src(%arg9 : memref<125x128xbf16, #tpu.memory_space<vmem>>) dst(%dma_wait3A_75 : memref<125x128xbf16, #tpu.memory_space<vmem_shared>>)
      %eq3A = arith.constant 39 : i32
      %eq3A_76 = arith.cmpi eq, %add3A_28, %eq3A : i32
      %convert_element_type3A_77 = arith.extui %eq3A_76 : i1 to i32
      %cond3A_78 = arith.constant 0 : i32
      %cond3A_79 = arith.cmpi ne, %convert_element_type3A_77, %cond3A_78 : i32
      scf.if %cond3A_79 {
        %dma_wait3A_80 = arith.constant 0 : i32
        %dma_wait3A_81 = arith.constant 0 : i32
        %dma_wait3A_82 = tpu.memref_slice %arg10[%dma_wait3A_80, %dma_wait3A_81] : memref<10000x128xbf16, #tpu.memory_space<vmem_shared>> -> memref<125x128xbf16, #tpu.memory_space<vmem_shared>>
        %dma_wait3A_83 = arith.constant 0 : i32
        %dma_wait3A_84 = arith.constant 0 : i32
        %dma_wait3A_85 = tpu.memref_slice %arg10[%dma_wait3A_83, %dma_wait3A_84] : memref<10000x128xbf16, #tpu.memory_space<vmem_shared>> -> memref<125x128xbf16, #tpu.memory_space<vmem_shared>>
        tpu.wait_dma2 semaphore(%arg13 : memref<!tpu.dma_semaphore, #tpu.memory_space<semaphore_mem>>) src(%arg8 : memref<125x128xbf16, #tpu.memory_space<vmem>>) dst(%dma_wait3A_85 : memref<125x128xbf16, #tpu.memory_space<vmem_shared>>)
      } else {
      }
    }
    %scan3A_22 = arith.constant 40 : i32
    %barrier3A_23 = arith.constant 0 : index
    tpu.barrier barrier_id(%barrier3A_23)
    "tpu.region"() ({
      %run_scoped3A = tpu.sem_alloc : memref<!tpu.dma_semaphore, #tpu.memory_space<semaphore_mem>>
      %dma_start3A_24 = arith.constant 0 : i32
      %dma_start3A_25 = tpu.memref_slice %arg5[%arg0, %mul3A_2, %dma_start3A_24] : memref<2x10000x128xbf16, #tpu.memory_space<hbm>> -> memref<1x625x128xbf16, #tpu.memory_space<hbm>>
      %dma_start3A_26 = tpu.memref_squeeze %dma_start3A_25 : memref<1x625x128xbf16, #tpu.memory_space<hbm>> -> memref<625x128xbf16, #tpu.memory_space<hbm>>
      %dma_start3A_27 = arith.constant 0 : i32
      %dma_start3A_28 = tpu.memref_slice %arg10[%mul3A_2, %dma_start3A_27] : memref<10000x128xbf16, #tpu.memory_space<vmem_shared>> -> memref<625x128xbf16, #tpu.memory_space<vmem_shared>>
      tpu.enqueue_dma source(%dma_start3A_28 : memref<625x128xbf16, #tpu.memory_space<vmem_shared>>) target(%dma_start3A_26 : memref<625x128xbf16, #tpu.memory_space<hbm>>) target_semaphore(%run_scoped3A : memref<!tpu.dma_semaphore, #tpu.memory_space<semaphore_mem>>)
      %dma_wait3A = arith.constant 0 : i32
      %dma_wait3A_29 = tpu.memref_slice %arg5[%arg0, %mul3A_2, %dma_wait3A] : memref<2x10000x128xbf16, #tpu.memory_space<hbm>> -> memref<1x625x128xbf16, #tpu.memory_space<hbm>>
      %dma_wait3A_30 = tpu.memref_squeeze %dma_wait3A_29 : memref<1x625x128xbf16, #tpu.memory_space<hbm>> -> memref<625x128xbf16, #tpu.memory_space<hbm>>
      %dma_wait3A_31 = arith.constant 0 : i32
      %dma_wait3A_32 = tpu.memref_slice %arg10[%mul3A_2, %dma_wait3A_31] : memref<10000x128xbf16, #tpu.memory_space<vmem_shared>> -> memref<625x128xbf16, #tpu.memory_space<vmem_shared>>
      tpu.wait_dma2 semaphore(%run_scoped3A : memref<!tpu.dma_semaphore, #tpu.memory_space<semaphore_mem>>) src(%dma_wait3A_32 : memref<625x128xbf16, #tpu.memory_space<vmem_shared>>) dst(%dma_wait3A_30 : memref<625x128xbf16, #tpu.memory_space<hbm>>)
      tpu.yield
    }) : () -> ()
    return
  }
}

#map = affine_map<(d0, d1) -> (0, 0, 0)>
module attributes {stable_mosaic.version = 14 : i64} {
  func.func @_sc_degree(%arg0: i32, %arg1: i32, %arg2: memref<32x100x100xi32, #tpu.memory_space<hbm>>, %arg3: memref<2x10000x16xf32, #tpu.memory_space<hbm>>, %arg4: memref<100x100xi32, #tpu.memory_space<vmem>>, %arg5: memref<100x16xf32, #tpu.memory_space<vmem>>, %arg6: memref<625x16xf32, #tpu.memory_space<vmem>>, %arg7: memref<10000x16xf32, #tpu.memory_space<vmem_shared>>, %arg8: memref<!tpu.dma_semaphore, #tpu.memory_space<semaphore_mem>>, %arg9: memref<!tpu.dma_semaphore, #tpu.memory_space<semaphore_mem>>) attributes {dimension_semantics = [#tpu.dimension_semantics<core_parallel>, #tpu.dimension_semantics<subcore_parallel>], iteration_bounds = array<i64: 2, 16>, scalar_prefetch = 0 : i64, scratch_operands = 6 : i64, tpu.core_type = #tpu.core_type<sc_vector_subcore>, window_params = [{transform_indices = #map}, {transform_indices = #map}]} {
    %mul3A = arith.constant 16 : i32
    %mul3A_0 = arith.muli %arg0, %mul3A : i32
    %add3A = arith.addi %mul3A_0, %arg1 : i32
    "tpu.region"() ({
      %run_scoped3A = tpu.sem_alloc : memref<!tpu.dma_semaphore, #tpu.memory_space<semaphore_mem>>
      %dma_start3A_28 = arith.constant 0 : i32
      %dma_start3A_29 = arith.constant 0 : i32
      %dma_start3A_30 = tpu.memref_slice %arg2[%add3A, %dma_start3A_28, %dma_start3A_29] : memref<32x100x100xi32, #tpu.memory_space<hbm>> -> memref<1x100x100xi32, #tpu.memory_space<hbm>>
      %dma_start3A_31 = tpu.memref_squeeze %dma_start3A_30 : memref<1x100x100xi32, #tpu.memory_space<hbm>> -> memref<100x100xi32, #tpu.memory_space<hbm>>
      %dma_start3A_32 = arith.constant 0 : i32
      %dma_start3A_33 = arith.constant 0 : i32
      %dma_start3A_34 = tpu.memref_slice %arg2[%add3A, %dma_start3A_32, %dma_start3A_33] : memref<32x100x100xi32, #tpu.memory_space<hbm>> -> memref<1x100x100xi32, #tpu.memory_space<hbm>>
      %dma_start3A_35 = tpu.memref_squeeze %dma_start3A_34 : memref<1x100x100xi32, #tpu.memory_space<hbm>> -> memref<100x100xi32, #tpu.memory_space<hbm>>
      tpu.enqueue_dma source(%dma_start3A_35 : memref<100x100xi32, #tpu.memory_space<hbm>>) target(%arg4 : memref<100x100xi32, #tpu.memory_space<vmem>>) target_semaphore(%run_scoped3A : memref<!tpu.dma_semaphore, #tpu.memory_space<semaphore_mem>>)
      %dma_wait3A = arith.constant 0 : i32
      %dma_wait3A_36 = arith.constant 0 : i32
      %dma_wait3A_37 = tpu.memref_slice %arg2[%add3A, %dma_wait3A, %dma_wait3A_36] : memref<32x100x100xi32, #tpu.memory_space<hbm>> -> memref<1x100x100xi32, #tpu.memory_space<hbm>>
      %dma_wait3A_38 = tpu.memref_squeeze %dma_wait3A_37 : memref<1x100x100xi32, #tpu.memory_space<hbm>> -> memref<100x100xi32, #tpu.memory_space<hbm>>
      %dma_wait3A_39 = arith.constant 0 : i32
      %dma_wait3A_40 = arith.constant 0 : i32
      %dma_wait3A_41 = tpu.memref_slice %arg2[%add3A, %dma_wait3A_39, %dma_wait3A_40] : memref<32x100x100xi32, #tpu.memory_space<hbm>> -> memref<1x100x100xi32, #tpu.memory_space<hbm>>
      %dma_wait3A_42 = tpu.memref_squeeze %dma_wait3A_41 : memref<1x100x100xi32, #tpu.memory_space<hbm>> -> memref<100x100xi32, #tpu.memory_space<hbm>>
      tpu.wait_dma2 semaphore(%run_scoped3A : memref<!tpu.dma_semaphore, #tpu.memory_space<semaphore_mem>>) src(%dma_wait3A_42 : memref<100x100xi32, #tpu.memory_space<hbm>>) dst(%arg4 : memref<100x100xi32, #tpu.memory_space<vmem>>)
      tpu.yield
    }) : () -> ()
    %scan3A = arith.constant 0 : i32
    %scan3A_1 = arith.constant 100 : i32
    %scan3A_2 = arith.addi %scan3A, %scan3A_1 : i32
    %scan3A_3 = arith.constant 1 : i32
    scf.for %scan3A_28 = %scan3A to %scan3A_2 step %scan3A_3  : i32 {
      %mul3A_29 = arith.constant 1 : i32
      %mul3A_30 = arith.muli %scan3A_28, %mul3A_29 : i32
      %add3A_31 = arith.constant 0 : i32
      %add3A_32 = arith.addi %add3A_31, %mul3A_30 : i32
      %broadcast_in_dim3A = arith.constant 1.000000e+00 : f32
      %broadcast_in_dim3A_33 = vector.broadcast %broadcast_in_dim3A : f32 to vector<16xf32>
      %swap3A = arith.index_cast %add3A_32 : i32 to index
      %swap3A_34 = arith.constant 0 : index
      %swap3A_35 = tpu.vector_load %arg5[%swap3A, %swap3A_34] {strides = array<i32>} : memref<100x16xf32, #tpu.memory_space<vmem>>, vector<1x16xf32>,
      %swap3A_36 = vector.shape_cast %swap3A_35 : vector<1x16xf32> to vector<16xf32>
      %swap3A_37 = vector.shape_cast %broadcast_in_dim3A_33 : vector<16xf32> to vector<1x16xf32>
      tpu.vector_store %arg5[%swap3A, %swap3A_34], %swap3A_37 {strides = array<i32>} : memref<100x16xf32, #tpu.memory_space<vmem>>, vector<1x16xf32>,
    }
    %scan3A_4 = arith.constant 100 : i32
    %scan3A_5 = arith.constant 0 : i32
    %scan3A_6 = arith.constant 625 : i32
    %scan3A_7 = arith.addi %scan3A_5, %scan3A_6 : i32
    %scan3A_8 = arith.constant 1 : i32
    scf.for %scan3A_28 = %scan3A_5 to %scan3A_7 step %scan3A_8  : i32 {
      %mul3A_29 = arith.constant 1 : i32
      %mul3A_30 = arith.muli %scan3A_28, %mul3A_29 : i32
      %add3A_31 = arith.constant 0 : i32
      %add3A_32 = arith.addi %add3A_31, %mul3A_30 : i32
      %broadcast_in_dim3A = arith.constant 0.000000e+00 : f32
      %broadcast_in_dim3A_33 = vector.broadcast %broadcast_in_dim3A : f32 to vector<16xf32>
      %swap3A = arith.index_cast %add3A_32 : i32 to index
      %swap3A_34 = arith.constant 0 : index
      %swap3A_35 = tpu.vector_load %arg6[%swap3A, %swap3A_34] {strides = array<i32>} : memref<625x16xf32, #tpu.memory_space<vmem>>, vector<1x16xf32>,
      %swap3A_36 = vector.shape_cast %swap3A_35 : vector<1x16xf32> to vector<16xf32>
      %swap3A_37 = vector.shape_cast %broadcast_in_dim3A_33 : vector<16xf32> to vector<1x16xf32>
      tpu.vector_store %arg6[%swap3A, %swap3A_34], %swap3A_37 {strides = array<i32>} : memref<625x16xf32, #tpu.memory_space<vmem>>, vector<1x16xf32>,
    }
    %scan3A_9 = arith.constant 625 : i32
    %mul3A_10 = arith.constant 625 : i32
    %mul3A_11 = arith.muli %arg1, %mul3A_10 : i32
    "tpu.region"() ({
      %run_scoped3A = tpu.sem_alloc : memref<!tpu.dma_semaphore, #tpu.memory_space<semaphore_mem>>
      %dma_start3A_28 = arith.constant 0 : i32
      %dma_start3A_29 = tpu.memref_slice %arg7[%mul3A_11, %dma_start3A_28] : memref<10000x16xf32, #tpu.memory_space<vmem_shared>> -> memref<625x16xf32, #tpu.memory_space<vmem_shared>>
      %dma_start3A_30 = arith.constant 0 : i32
      %dma_start3A_31 = tpu.memref_slice %arg7[%mul3A_11, %dma_start3A_30] : memref<10000x16xf32, #tpu.memory_space<vmem_shared>> -> memref<625x16xf32, #tpu.memory_space<vmem_shared>>
      tpu.enqueue_dma source(%arg6 : memref<625x16xf32, #tpu.memory_space<vmem>>) target(%dma_start3A_31 : memref<625x16xf32, #tpu.memory_space<vmem_shared>>) target_semaphore(%run_scoped3A : memref<!tpu.dma_semaphore, #tpu.memory_space<semaphore_mem>>)
      %dma_wait3A = arith.constant 0 : i32
      %dma_wait3A_32 = tpu.memref_slice %arg7[%mul3A_11, %dma_wait3A] : memref<10000x16xf32, #tpu.memory_space<vmem_shared>> -> memref<625x16xf32, #tpu.memory_space<vmem_shared>>
      %dma_wait3A_33 = arith.constant 0 : i32
      %dma_wait3A_34 = tpu.memref_slice %arg7[%mul3A_11, %dma_wait3A_33] : memref<10000x16xf32, #tpu.memory_space<vmem_shared>> -> memref<625x16xf32, #tpu.memory_space<vmem_shared>>
      tpu.wait_dma2 semaphore(%run_scoped3A : memref<!tpu.dma_semaphore, #tpu.memory_space<semaphore_mem>>) src(%arg6 : memref<625x16xf32, #tpu.memory_space<vmem>>) dst(%dma_wait3A_34 : memref<625x16xf32, #tpu.memory_space<vmem_shared>>)
      tpu.yield
    }) : () -> ()
    %barrier3A = arith.constant 0 : index
    tpu.barrier barrier_id(%barrier3A)
    %dma_start3A = arith.constant 0 : i32
    %dma_start3A_12 = arith.constant 0 : i32
    %dma_start3A_13 = tpu.memref_slice %arg4[%dma_start3A, %dma_start3A_12] : memref<100x100xi32, #tpu.memory_space<vmem>> -> memref<1x100xi32, #tpu.memory_space<vmem>>
    %dma_start3A_14 = tpu.memref_squeeze %dma_start3A_13 : memref<1x100xi32, #tpu.memory_space<vmem>> -> memref<100xi32, #tpu.memory_space<vmem>>
    %dma_start3A_15 = arith.constant 0 : i32
    %dma_start3A_16 = arith.constant 0 : i32
    %dma_start3A_17 = tpu.memref_slice %arg7[%dma_start3A_15, %dma_start3A_16] : memref<10000x16xf32, #tpu.memory_space<vmem_shared>> -> memref<10000x16xf32, #tpu.memory_space<vmem_shared>>
    tpu.enqueue_indirect_dma source(%arg5 : memref<100x16xf32, #tpu.memory_space<vmem>>) target(%dma_start3A_17 : memref<10000x16xf32, #tpu.memory_space<vmem_shared>>) offsets(%dma_start3A_14 : memref<100xi32, #tpu.memory_space<vmem>>) semaphore(%arg8 : memref<!tpu.dma_semaphore, #tpu.memory_space<semaphore_mem>>) {add = true}
    %scan3A_18 = arith.constant 0 : i32
    %scan3A_19 = arith.constant 50 : i32
    %scan3A_20 = arith.addi %scan3A_18, %scan3A_19 : i32
    %scan3A_21 = arith.constant 1 : i32
    scf.for %scan3A_28 = %scan3A_18 to %scan3A_20 step %scan3A_21  : i32 {
      %mul3A_29 = arith.constant 1 : i32
      %mul3A_30 = arith.muli %scan3A_28, %mul3A_29 : i32
      %add3A_31 = arith.constant 0 : i32
      %add3A_32 = arith.addi %add3A_31, %mul3A_30 : i32
      %mul3A_33 = arith.constant 2 : i32
      %mul3A_34 = arith.muli %mul3A_33, %add3A_32 : i32
      %add3A_35 = arith.constant 1 : i32
      %add3A_36 = arith.addi %mul3A_34, %add3A_35 : i32
      %dma_start3A_37 = arith.constant 0 : i32
      %dma_start3A_38 = tpu.memref_slice %arg4[%add3A_36, %dma_start3A_37] : memref<100x100xi32, #tpu.memory_space<vmem>> -> memref<1x100xi32, #tpu.memory_space<vmem>>
      %dma_start3A_39 = tpu.memref_squeeze %dma_start3A_38 : memref<1x100xi32, #tpu.memory_space<vmem>> -> memref<100xi32, #tpu.memory_space<vmem>>
      %dma_start3A_40 = arith.constant 0 : i32
      %dma_start3A_41 = arith.constant 0 : i32
      %dma_start3A_42 = tpu.memref_slice %arg7[%dma_start3A_40, %dma_start3A_41] : memref<10000x16xf32, #tpu.memory_space<vmem_shared>> -> memref<10000x16xf32, #tpu.memory_space<vmem_shared>>
      tpu.enqueue_indirect_dma source(%arg5 : memref<100x16xf32, #tpu.memory_space<vmem>>) target(%dma_start3A_42 : memref<10000x16xf32, #tpu.memory_space<vmem_shared>>) offsets(%dma_start3A_39 : memref<100xi32, #tpu.memory_space<vmem>>) semaphore(%arg9 : memref<!tpu.dma_semaphore, #tpu.memory_space<semaphore_mem>>) {add = true}
      %dma_wait3A = arith.constant 0 : i32
      %dma_wait3A_43 = arith.constant 0 : i32
      %dma_wait3A_44 = tpu.memref_slice %arg7[%dma_wait3A, %dma_wait3A_43] : memref<10000x16xf32, #tpu.memory_space<vmem_shared>> -> memref<100x16xf32, #tpu.memory_space<vmem_shared>>
      %dma_wait3A_45 = arith.constant 0 : i32
      %dma_wait3A_46 = arith.constant 0 : i32
      %dma_wait3A_47 = tpu.memref_slice %arg7[%dma_wait3A_45, %dma_wait3A_46] : memref<10000x16xf32, #tpu.memory_space<vmem_shared>> -> memref<100x16xf32, #tpu.memory_space<vmem_shared>>
      tpu.wait_dma2 semaphore(%arg8 : memref<!tpu.dma_semaphore, #tpu.memory_space<semaphore_mem>>) src(%arg5 : memref<100x16xf32, #tpu.memory_space<vmem>>) dst(%dma_wait3A_47 : memref<100x16xf32, #tpu.memory_space<vmem_shared>>)
      %lt3A = arith.constant 49 : i32
      %lt3A_48 = arith.cmpi slt, %add3A_32, %lt3A : i32
      %convert_element_type3A = arith.extui %lt3A_48 : i1 to i32
      %cond3A = arith.constant 0 : i32
      %cond3A_49 = arith.cmpi ne, %convert_element_type3A, %cond3A : i32
      scf.if %cond3A_49 {
        %mul3A_56 = arith.constant 2 : i32
        %mul3A_57 = arith.muli %mul3A_56, %add3A_32 : i32
        %add3A_58 = arith.constant 2 : i32
        %add3A_59 = arith.addi %mul3A_57, %add3A_58 : i32
        %dma_start3A_60 = arith.constant 0 : i32
        %dma_start3A_61 = tpu.memref_slice %arg4[%add3A_59, %dma_start3A_60] : memref<100x100xi32, #tpu.memory_space<vmem>> -> memref<1x100xi32, #tpu.memory_space<vmem>>
        %dma_start3A_62 = tpu.memref_squeeze %dma_start3A_61 : memref<1x100xi32, #tpu.memory_space<vmem>> -> memref<100xi32, #tpu.memory_space<vmem>>
        %dma_start3A_63 = arith.constant 0 : i32
        %dma_start3A_64 = arith.constant 0 : i32
        %dma_start3A_65 = tpu.memref_slice %arg7[%dma_start3A_63, %dma_start3A_64] : memref<10000x16xf32, #tpu.memory_space<vmem_shared>> -> memref<10000x16xf32, #tpu.memory_space<vmem_shared>>
        tpu.enqueue_indirect_dma source(%arg5 : memref<100x16xf32, #tpu.memory_space<vmem>>) target(%dma_start3A_65 : memref<10000x16xf32, #tpu.memory_space<vmem_shared>>) offsets(%dma_start3A_62 : memref<100xi32, #tpu.memory_space<vmem>>) semaphore(%arg8 : memref<!tpu.dma_semaphore, #tpu.memory_space<semaphore_mem>>) {add = true}
      } else {
      }
      %dma_wait3A_50 = arith.constant 0 : i32
      %dma_wait3A_51 = arith.constant 0 : i32
      %dma_wait3A_52 = tpu.memref_slice %arg7[%dma_wait3A_50, %dma_wait3A_51] : memref<10000x16xf32, #tpu.memory_space<vmem_shared>> -> memref<100x16xf32, #tpu.memory_space<vmem_shared>>
      %dma_wait3A_53 = arith.constant 0 : i32
      %dma_wait3A_54 = arith.constant 0 : i32
      %dma_wait3A_55 = tpu.memref_slice %arg7[%dma_wait3A_53, %dma_wait3A_54] : memref<10000x16xf32, #tpu.memory_space<vmem_shared>> -> memref<100x16xf32, #tpu.memory_space<vmem_shared>>
      tpu.wait_dma2 semaphore(%arg9 : memref<!tpu.dma_semaphore, #tpu.memory_space<semaphore_mem>>) src(%arg5 : memref<100x16xf32, #tpu.memory_space<vmem>>) dst(%dma_wait3A_55 : memref<100x16xf32, #tpu.memory_space<vmem_shared>>)
    }
    %scan3A_22 = arith.constant 50 : i32
    %barrier3A_23 = arith.constant 0 : index
    tpu.barrier barrier_id(%barrier3A_23)
    %mul3A_24 = arith.constant 625 : i32
    %mul3A_25 = arith.muli %arg1, %mul3A_24 : i32
    "tpu.region"() ({
      %run_scoped3A = tpu.sem_alloc : memref<!tpu.dma_semaphore, #tpu.memory_space<semaphore_mem>>
      %dma_start3A_28 = arith.constant 0 : i32
      %dma_start3A_29 = tpu.memref_slice %arg7[%mul3A_25, %dma_start3A_28] : memref<10000x16xf32, #tpu.memory_space<vmem_shared>> -> memref<625x16xf32, #tpu.memory_space<vmem_shared>>
      %dma_start3A_30 = arith.constant 0 : i32
      %dma_start3A_31 = tpu.memref_slice %arg7[%mul3A_25, %dma_start3A_30] : memref<10000x16xf32, #tpu.memory_space<vmem_shared>> -> memref<625x16xf32, #tpu.memory_space<vmem_shared>>
      tpu.enqueue_dma source(%dma_start3A_31 : memref<625x16xf32, #tpu.memory_space<vmem_shared>>) target(%arg6 : memref<625x16xf32, #tpu.memory_space<vmem>>) target_semaphore(%run_scoped3A : memref<!tpu.dma_semaphore, #tpu.memory_space<semaphore_mem>>)
      %dma_wait3A = arith.constant 0 : i32
      %dma_wait3A_32 = tpu.memref_slice %arg7[%mul3A_25, %dma_wait3A] : memref<10000x16xf32, #tpu.memory_space<vmem_shared>> -> memref<625x16xf32, #tpu.memory_space<vmem_shared>>
      %dma_wait3A_33 = arith.constant 0 : i32
      %dma_wait3A_34 = tpu.memref_slice %arg7[%mul3A_25, %dma_wait3A_33] : memref<10000x16xf32, #tpu.memory_space<vmem_shared>> -> memref<625x16xf32, #tpu.memory_space<vmem_shared>>
      tpu.wait_dma2 semaphore(%run_scoped3A : memref<!tpu.dma_semaphore, #tpu.memory_space<semaphore_mem>>) src(%dma_wait3A_34 : memref<625x16xf32, #tpu.memory_space<vmem_shared>>) dst(%arg6 : memref<625x16xf32, #tpu.memory_space<vmem>>)
      tpu.yield
    }) : () -> ()
    %mul3A_26 = arith.constant 625 : i32
    %mul3A_27 = arith.muli %arg1, %mul3A_26 : i32
    "tpu.region"() ({
      %run_scoped3A = tpu.sem_alloc : memref<!tpu.dma_semaphore, #tpu.memory_space<semaphore_mem>>
      %dma_start3A_28 = arith.constant 0 : i32
      %dma_start3A_29 = tpu.memref_slice %arg3[%arg0, %mul3A_27, %dma_start3A_28] : memref<2x10000x16xf32, #tpu.memory_space<hbm>> -> memref<1x625x16xf32, #tpu.memory_space<hbm>>
      %dma_start3A_30 = tpu.memref_squeeze %dma_start3A_29 : memref<1x625x16xf32, #tpu.memory_space<hbm>> -> memref<625x16xf32, #tpu.memory_space<hbm>>
      %dma_start3A_31 = arith.constant 0 : i32
      %dma_start3A_32 = tpu.memref_slice %arg3[%arg0, %mul3A_27, %dma_start3A_31] : memref<2x10000x16xf32, #tpu.memory_space<hbm>> -> memref<1x625x16xf32, #tpu.memory_space<hbm>>
      %dma_start3A_33 = tpu.memref_squeeze %dma_start3A_32 : memref<1x625x16xf32, #tpu.memory_space<hbm>> -> memref<625x16xf32, #tpu.memory_space<hbm>>
      tpu.enqueue_dma source(%arg6 : memref<625x16xf32, #tpu.memory_space<vmem>>) target(%dma_start3A_33 : memref<625x16xf32, #tpu.memory_space<hbm>>) target_semaphore(%run_scoped3A : memref<!tpu.dma_semaphore, #tpu.memory_space<semaphore_mem>>)
      %dma_wait3A = arith.constant 0 : i32
      %dma_wait3A_34 = tpu.memref_slice %arg3[%arg0, %mul3A_27, %dma_wait3A] : memref<2x10000x16xf32, #tpu.memory_space<hbm>> -> memref<1x625x16xf32, #tpu.memory_space<hbm>>
      %dma_wait3A_35 = tpu.memref_squeeze %dma_wait3A_34 : memref<1x625x16xf32, #tpu.memory_space<hbm>> -> memref<625x16xf32, #tpu.memory_space<hbm>>
      %dma_wait3A_36 = arith.constant 0 : i32
      %dma_wait3A_37 = tpu.memref_slice %arg3[%arg0, %mul3A_27, %dma_wait3A_36] : memref<2x10000x16xf32, #tpu.memory_space<hbm>> -> memref<1x625x16xf32, #tpu.memory_space<hbm>>
      %dma_wait3A_38 = tpu.memref_squeeze %dma_wait3A_37 : memref<1x625x16xf32, #tpu.memory_space<hbm>> -> memref<625x16xf32, #tpu.memory_space<hbm>>
      tpu.wait_dma2 semaphore(%run_scoped3A : memref<!tpu.dma_semaphore, #tpu.memory_space<semaphore_mem>>) src(%arg6 : memref<625x16xf32, #tpu.memory_space<vmem>>) dst(%dma_wait3A_38 : memref<625x16xf32, #tpu.memory_space<hbm>>)
      tpu.yield
    }) : () -> ()
    return
  }
}

#map = affine_map<(d0, d1) -> (0, 0)>
#map1 = affine_map<(d0, d1) -> (0, 0, 0)>
module attributes {stable_mosaic.version = 14 : i64} {
  func.func @_sc_edge_scatter(%arg0: i32, %arg1: i32, %arg2: memref<10000x128xbf16, #tpu.memory_space<hbm>>, %arg3: memref<32x80x125xi32, #tpu.memory_space<hbm>>, %arg4: memref<32x80x125xi32, #tpu.memory_space<hbm>>, %arg5: memref<2x10000x128xbf16, #tpu.memory_space<hbm>>, %arg6: memref<80x125xi32, #tpu.memory_space<vmem>>, %arg7: memref<80x125xi32, #tpu.memory_space<vmem>>, %arg8: memref<125x128xbf16, #tpu.memory_space<vmem>>, %arg9: memref<125x128xbf16, #tpu.memory_space<vmem>>, %arg10: memref<10000x128xbf16, #tpu.memory_space<vmem_shared>>, %arg11: memref<!tpu.dma_semaphore, #tpu.memory_space<semaphore_mem>>, %arg12: memref<!tpu.dma_semaphore, #tpu.memory_space<semaphore_mem>>, %arg13: memref<!tpu.dma_semaphore, #tpu.memory_space<semaphore_mem>>, %arg14: memref<!tpu.dma_semaphore, #tpu.memory_space<semaphore_mem>>) attributes {dimension_semantics = [#tpu.dimension_semantics<core_parallel>, #tpu.dimension_semantics<subcore_parallel>], iteration_bounds = array<i64: 2, 16>, scalar_prefetch = 0 : i64, scratch_operands = 9 : i64, tpu.core_type = #tpu.core_type<sc_vector_subcore>, window_params = [{transform_indices = #map}, {transform_indices = #map1}, {transform_indices = #map1}, {transform_indices = #map1}]} {
    %mul3A = arith.constant 16 : i32
    %mul3A_0 = arith.muli %arg0, %mul3A : i32
    %add3A = arith.addi %mul3A_0, %arg1 : i32
    %mul3A_1 = arith.constant 625 : i32
    %mul3A_2 = arith.muli %arg1, %mul3A_1 : i32
    "tpu.region"() ({
      %run_scoped3A = tpu.sem_alloc : memref<!tpu.dma_semaphore, #tpu.memory_space<semaphore_mem>>
      %dma_start3A_24 = arith.constant 0 : i32
      %dma_start3A_25 = arith.constant 0 : i32
      %dma_start3A_26 = tpu.memref_slice %arg3[%add3A, %dma_start3A_24, %dma_start3A_25] : memref<32x80x125xi32, #tpu.memory_space<hbm>> -> memref<1x80x125xi32, #tpu.memory_space<hbm>>
      %dma_start3A_27 = tpu.memref_squeeze %dma_start3A_26 : memref<1x80x125xi32, #tpu.memory_space<hbm>> -> memref<80x125xi32, #tpu.memory_space<hbm>>
      %dma_start3A_28 = arith.constant 0 : i32
      %dma_start3A_29 = arith.constant 0 : i32
      %dma_start3A_30 = tpu.memref_slice %arg3[%add3A, %dma_start3A_28, %dma_start3A_29] : memref<32x80x125xi32, #tpu.memory_space<hbm>> -> memref<1x80x125xi32, #tpu.memory_space<hbm>>
      %dma_start3A_31 = tpu.memref_squeeze %dma_start3A_30 : memref<1x80x125xi32, #tpu.memory_space<hbm>> -> memref<80x125xi32, #tpu.memory_space<hbm>>
      tpu.enqueue_dma source(%dma_start3A_31 : memref<80x125xi32, #tpu.memory_space<hbm>>) target(%arg6 : memref<80x125xi32, #tpu.memory_space<vmem>>) target_semaphore(%run_scoped3A : memref<!tpu.dma_semaphore, #tpu.memory_space<semaphore_mem>>)
      %dma_wait3A = arith.constant 0 : i32
      %dma_wait3A_32 = arith.constant 0 : i32
      %dma_wait3A_33 = tpu.memref_slice %arg3[%add3A, %dma_wait3A, %dma_wait3A_32] : memref<32x80x125xi32, #tpu.memory_space<hbm>> -> memref<1x80x125xi32, #tpu.memory_space<hbm>>
      %dma_wait3A_34 = tpu.memref_squeeze %dma_wait3A_33 : memref<1x80x125xi32, #tpu.memory_space<hbm>> -> memref<80x125xi32, #tpu.memory_space<hbm>>
      %dma_wait3A_35 = arith.constant 0 : i32
      %dma_wait3A_36 = arith.constant 0 : i32
      %dma_wait3A_37 = tpu.memref_slice %arg3[%add3A, %dma_wait3A_35, %dma_wait3A_36] : memref<32x80x125xi32, #tpu.memory_space<hbm>> -> memref<1x80x125xi32, #tpu.memory_space<hbm>>
      %dma_wait3A_38 = tpu.memref_squeeze %dma_wait3A_37 : memref<1x80x125xi32, #tpu.memory_space<hbm>> -> memref<80x125xi32, #tpu.memory_space<hbm>>
      tpu.wait_dma2 semaphore(%run_scoped3A : memref<!tpu.dma_semaphore, #tpu.memory_space<semaphore_mem>>) src(%dma_wait3A_38 : memref<80x125xi32, #tpu.memory_space<hbm>>) dst(%arg6 : memref<80x125xi32, #tpu.memory_space<vmem>>)
      tpu.yield
    }) : () -> ()
    "tpu.region"() ({
      %run_scoped3A = tpu.sem_alloc : memref<!tpu.dma_semaphore, #tpu.memory_space<semaphore_mem>>
      %dma_start3A_24 = arith.constant 0 : i32
      %dma_start3A_25 = arith.constant 0 : i32
      %dma_start3A_26 = tpu.memref_slice %arg4[%add3A, %dma_start3A_24, %dma_start3A_25] : memref<32x80x125xi32, #tpu.memory_space<hbm>> -> memref<1x80x125xi32, #tpu.memory_space<hbm>>
      %dma_start3A_27 = tpu.memref_squeeze %dma_start3A_26 : memref<1x80x125xi32, #tpu.memory_space<hbm>> -> memref<80x125xi32, #tpu.memory_space<hbm>>
      %dma_start3A_28 = arith.constant 0 : i32
      %dma_start3A_29 = arith.constant 0 : i32
      %dma_start3A_30 = tpu.memref_slice %arg4[%add3A, %dma_start3A_28, %dma_start3A_29] : memref<32x80x125xi32, #tpu.memory_space<hbm>> -> memref<1x80x125xi32, #tpu.memory_space<hbm>>
      %dma_start3A_31 = tpu.memref_squeeze %dma_start3A_30 : memref<1x80x125xi32, #tpu.memory_space<hbm>> -> memref<80x125xi32, #tpu.memory_space<hbm>>
      tpu.enqueue_dma source(%dma_start3A_31 : memref<80x125xi32, #tpu.memory_space<hbm>>) target(%arg7 : memref<80x125xi32, #tpu.memory_space<vmem>>) target_semaphore(%run_scoped3A : memref<!tpu.dma_semaphore, #tpu.memory_space<semaphore_mem>>)
      %dma_wait3A = arith.constant 0 : i32
      %dma_wait3A_32 = arith.constant 0 : i32
      %dma_wait3A_33 = tpu.memref_slice %arg4[%add3A, %dma_wait3A, %dma_wait3A_32] : memref<32x80x125xi32, #tpu.memory_space<hbm>> -> memref<1x80x125xi32, #tpu.memory_space<hbm>>
      %dma_wait3A_34 = tpu.memref_squeeze %dma_wait3A_33 : memref<1x80x125xi32, #tpu.memory_space<hbm>> -> memref<80x125xi32, #tpu.memory_space<hbm>>
      %dma_wait3A_35 = arith.constant 0 : i32
      %dma_wait3A_36 = arith.constant 0 : i32
      %dma_wait3A_37 = tpu.memref_slice %arg4[%add3A, %dma_wait3A_35, %dma_wait3A_36] : memref<32x80x125xi32, #tpu.memory_space<hbm>> -> memref<1x80x125xi32, #tpu.memory_space<hbm>>
      %dma_wait3A_38 = tpu.memref_squeeze %dma_wait3A_37 : memref<1x80x125xi32, #tpu.memory_space<hbm>> -> memref<80x125xi32, #tpu.memory_space<hbm>>
      tpu.wait_dma2 semaphore(%run_scoped3A : memref<!tpu.dma_semaphore, #tpu.memory_space<semaphore_mem>>) src(%dma_wait3A_38 : memref<80x125xi32, #tpu.memory_space<hbm>>) dst(%arg7 : memref<80x125xi32, #tpu.memory_space<vmem>>)
      tpu.yield
    }) : () -> ()
    %scan3A = arith.constant 0 : i32
    %scan3A_3 = arith.constant 125 : i32
    %scan3A_4 = arith.addi %scan3A, %scan3A_3 : i32
    %scan3A_5 = arith.constant 1 : i32
    scf.for %scan3A_24 = %scan3A to %scan3A_4 step %scan3A_5  : i32 {
      %mul3A_25 = arith.constant 1 : i32
      %mul3A_26 = arith.muli %scan3A_24, %mul3A_25 : i32
      %add3A_27 = arith.constant 0 : i32
      %add3A_28 = arith.addi %add3A_27, %mul3A_26 : i32
      %scan3A_29 = arith.constant 0 : i32
      %scan3A_30 = arith.constant 4 : i32
      %scan3A_31 = arith.addi %scan3A_29, %scan3A_30 : i32
      %scan3A_32 = arith.constant 1 : i32
      scf.for %scan3A_34 = %scan3A_29 to %scan3A_31 step %scan3A_32  : i32 {
        %mul3A_35 = arith.constant 1 : i32
        %mul3A_36 = arith.muli %scan3A_34, %mul3A_35 : i32
        %add3A_37 = arith.constant 0 : i32
        %add3A_38 = arith.addi %add3A_37, %mul3A_36 : i32
        %broadcast_in_dim3A = arith.constant 0.000000e+00 : bf16
        %broadcast_in_dim3A_39 = vector.broadcast %broadcast_in_dim3A : bf16 to vector<32xbf16>
        %mul3A_40 = arith.constant 32 : i32
        %mul3A_41 = arith.muli %add3A_38, %mul3A_40 : i32
        %swap3A = arith.index_cast %add3A_28 : i32 to index
        %swap3A_42 = arith.index_cast %mul3A_41 : i32 to index
        %swap3A_43 = tpu.vector_load %arg8[%swap3A, %swap3A_42] {strides = array<i32>} : memref<125x128xbf16, #tpu.memory_space<vmem>>, vector<1x32xbf16>,
        %swap3A_44 = vector.shape_cast %swap3A_43 : vector<1x32xbf16> to vector<32xbf16>
        %swap3A_45 = vector.shape_cast %broadcast_in_dim3A_39 : vector<32xbf16> to vector<1x32xbf16>
        tpu.vector_store %arg8[%swap3A, %swap3A_42], %swap3A_45 {strides = array<i32>} : memref<125x128xbf16, #tpu.memory_space<vmem>>, vector<1x32xbf16>,
      }
      %scan3A_33 = arith.constant 4 : i32
    }
    %scan3A_6 = arith.constant 125 : i32
    %scan3A_7 = arith.constant 0 : i32
    %scan3A_8 = arith.constant 5 : i32
    %scan3A_9 = arith.addi %scan3A_7, %scan3A_8 : i32
    %scan3A_10 = arith.constant 1 : i32
    scf.for %scan3A_24 = %scan3A_7 to %scan3A_9 step %scan3A_10  : i32 {
      %mul3A_25 = arith.constant 1 : i32
      %mul3A_26 = arith.muli %scan3A_24, %mul3A_25 : i32
      %add3A_27 = arith.constant 0 : i32
      %add3A_28 = arith.addi %add3A_27, %mul3A_26 : i32
      %mul3A_29 = arith.constant 125 : i32
      %mul3A_30 = arith.muli %add3A_28, %mul3A_29 : i32
      %add3A_31 = arith.addi %mul3A_2, %mul3A_30 : i32
      "tpu.region"() ({
        %run_scoped3A = tpu.sem_alloc : memref<!tpu.dma_semaphore, #tpu.memory_space<semaphore_mem>>
        %dma_start3A_32 = arith.constant 0 : i32
        %dma_start3A_33 = tpu.memref_slice %arg10[%add3A_31, %dma_start3A_32] : memref<10000x128xbf16, #tpu.memory_space<vmem_shared>> -> memref<125x128xbf16, #tpu.memory_space<vmem_shared>>
        %dma_start3A_34 = arith.constant 0 : i32
        %dma_start3A_35 = tpu.memref_slice %arg10[%add3A_31, %dma_start3A_34] : memref<10000x128xbf16, #tpu.memory_space<vmem_shared>> -> memref<125x128xbf16, #tpu.memory_space<vmem_shared>>
        tpu.enqueue_dma source(%arg8 : memref<125x128xbf16, #tpu.memory_space<vmem>>) target(%dma_start3A_35 : memref<125x128xbf16, #tpu.memory_space<vmem_shared>>) target_semaphore(%run_scoped3A : memref<!tpu.dma_semaphore, #tpu.memory_space<semaphore_mem>>)
        %dma_wait3A = arith.constant 0 : i32
        %dma_wait3A_36 = tpu.memref_slice %arg10[%add3A_31, %dma_wait3A] : memref<10000x128xbf16, #tpu.memory_space<vmem_shared>> -> memref<125x128xbf16, #tpu.memory_space<vmem_shared>>
        %dma_wait3A_37 = arith.constant 0 : i32
        %dma_wait3A_38 = tpu.memref_slice %arg10[%add3A_31, %dma_wait3A_37] : memref<10000x128xbf16, #tpu.memory_space<vmem_shared>> -> memref<125x128xbf16, #tpu.memory_space<vmem_shared>>
        tpu.wait_dma2 semaphore(%run_scoped3A : memref<!tpu.dma_semaphore, #tpu.memory_space<semaphore_mem>>) src(%arg8 : memref<125x128xbf16, #tpu.memory_space<vmem>>) dst(%dma_wait3A_38 : memref<125x128xbf16, #tpu.memory_space<vmem_shared>>)
        tpu.yield
      }) : () -> ()
    }
    %scan3A_11 = arith.constant 5 : i32
    %barrier3A = arith.constant 0 : index
    tpu.barrier barrier_id(%barrier3A)
    %dma_start3A = arith.constant 0 : i32
    %dma_start3A_12 = arith.constant 0 : i32
    %dma_start3A_13 = tpu.memref_slice %arg6[%dma_start3A, %dma_start3A_12] : memref<80x125xi32, #tpu.memory_space<vmem>> -> memref<1x125xi32, #tpu.memory_space<vmem>>
    %dma_start3A_14 = tpu.memref_squeeze %dma_start3A_13 : memref<1x125xi32, #tpu.memory_space<vmem>> -> memref<125xi32, #tpu.memory_space<vmem>>
    %dma_start3A_15 = arith.constant 0 : i32
    %dma_start3A_16 = arith.constant 0 : i32
    %dma_start3A_17 = tpu.memref_slice %arg2[%dma_start3A_15, %dma_start3A_16] : memref<10000x128xbf16, #tpu.memory_space<hbm>> -> memref<10000x128xbf16, #tpu.memory_space<hbm>>
    tpu.enqueue_indirect_dma source(%dma_start3A_17 : memref<10000x128xbf16, #tpu.memory_space<hbm>>) target(%arg8 : memref<125x128xbf16, #tpu.memory_space<vmem>>) offsets(%dma_start3A_14 : memref<125xi32, #tpu.memory_space<vmem>>) semaphore(%arg11 : memref<!tpu.dma_semaphore, #tpu.memory_space<semaphore_mem>>)
    %scan3A_18 = arith.constant 0 : i32
    %scan3A_19 = arith.constant 40 : i32
    %scan3A_20 = arith.addi %scan3A_18, %scan3A_19 : i32
    %scan3A_21 = arith.constant 1 : i32
    scf.for %scan3A_24 = %scan3A_18 to %scan3A_20 step %scan3A_21  : i32 {
      %mul3A_25 = arith.constant 1 : i32
      %mul3A_26 = arith.muli %scan3A_24, %mul3A_25 : i32
      %add3A_27 = arith.constant 0 : i32
      %add3A_28 = arith.addi %add3A_27, %mul3A_26 : i32
      %dma_wait3A = arith.constant 0 : i32
      %dma_wait3A_29 = arith.constant 0 : i32
      %dma_wait3A_30 = tpu.memref_slice %arg2[%dma_wait3A, %dma_wait3A_29] : memref<10000x128xbf16, #tpu.memory_space<hbm>> -> memref<125x128xbf16, #tpu.memory_space<hbm>>
      %dma_wait3A_31 = arith.constant 0 : i32
      %dma_wait3A_32 = arith.constant 0 : i32
      %dma_wait3A_33 = tpu.memref_slice %arg2[%dma_wait3A_31, %dma_wait3A_32] : memref<10000x128xbf16, #tpu.memory_space<hbm>> -> memref<125x128xbf16, #tpu.memory_space<hbm>>
      tpu.wait_dma2 semaphore(%arg11 : memref<!tpu.dma_semaphore, #tpu.memory_space<semaphore_mem>>) src(%dma_wait3A_33 : memref<125x128xbf16, #tpu.memory_space<hbm>>) dst(%arg8 : memref<125x128xbf16, #tpu.memory_space<vmem>>)
      %mul3A_34 = arith.constant 2 : i32
      %mul3A_35 = arith.muli %mul3A_34, %add3A_28 : i32
      %add3A_36 = arith.constant 1 : i32
      %add3A_37 = arith.addi %mul3A_35, %add3A_36 : i32
      %dma_start3A_38 = arith.constant 0 : i32
      %dma_start3A_39 = tpu.memref_slice %arg6[%add3A_37, %dma_start3A_38] : memref<80x125xi32, #tpu.memory_space<vmem>> -> memref<1x125xi32, #tpu.memory_space<vmem>>
      %dma_start3A_40 = tpu.memref_squeeze %dma_start3A_39 : memref<1x125xi32, #tpu.memory_space<vmem>> -> memref<125xi32, #tpu.memory_space<vmem>>
      %dma_start3A_41 = arith.constant 0 : i32
      %dma_start3A_42 = arith.constant 0 : i32
      %dma_start3A_43 = tpu.memref_slice %arg2[%dma_start3A_41, %dma_start3A_42] : memref<10000x128xbf16, #tpu.memory_space<hbm>> -> memref<10000x128xbf16, #tpu.memory_space<hbm>>
      tpu.enqueue_indirect_dma source(%dma_start3A_43 : memref<10000x128xbf16, #tpu.memory_space<hbm>>) target(%arg9 : memref<125x128xbf16, #tpu.memory_space<vmem>>) offsets(%dma_start3A_40 : memref<125xi32, #tpu.memory_space<vmem>>) semaphore(%arg12 : memref<!tpu.dma_semaphore, #tpu.memory_space<semaphore_mem>>)
      %mul3A_44 = arith.constant 2 : i32
      %mul3A_45 = arith.muli %mul3A_44, %add3A_28 : i32
      %dma_start3A_46 = arith.constant 0 : i32
      %dma_start3A_47 = tpu.memref_slice %arg7[%mul3A_45, %dma_start3A_46] : memref<80x125xi32, #tpu.memory_space<vmem>> -> memref<1x125xi32, #tpu.memory_space<vmem>>
      %dma_start3A_48 = tpu.memref_squeeze %dma_start3A_47 : memref<1x125xi32, #tpu.memory_space<vmem>> -> memref<125xi32, #tpu.memory_space<vmem>>
      %dma_start3A_49 = arith.constant 0 : i32
      %dma_start3A_50 = arith.constant 0 : i32
      %dma_start3A_51 = tpu.memref_slice %arg10[%dma_start3A_49, %dma_start3A_50] : memref<10000x128xbf16, #tpu.memory_space<vmem_shared>> -> memref<10000x128xbf16, #tpu.memory_space<vmem_shared>>
      tpu.enqueue_indirect_dma source(%arg8 : memref<125x128xbf16, #tpu.memory_space<vmem>>) target(%dma_start3A_51 : memref<10000x128xbf16, #tpu.memory_space<vmem_shared>>) offsets(%dma_start3A_48 : memref<125xi32, #tpu.memory_space<vmem>>) semaphore(%arg13 : memref<!tpu.dma_semaphore, #tpu.memory_space<semaphore_mem>>) {add = true}
      %dma_wait3A_52 = arith.constant 0 : i32
      %dma_wait3A_53 = arith.constant 0 : i32
      %dma_wait3A_54 = tpu.memref_slice %arg2[%dma_wait3A_52, %dma_wait3A_53] : memref<10000x128xbf16, #tpu.memory_space<hbm>> -> memref<125x128xbf16, #tpu.memory_space<hbm>>
      %dma_wait3A_55 = arith.constant 0 : i32
      %dma_wait3A_56 = arith.constant 0 : i32
      %dma_wait3A_57 = tpu.memref_slice %arg2[%dma_wait3A_55, %dma_wait3A_56] : memref<10000x128xbf16, #tpu.memory_space<hbm>> -> memref<125x128xbf16, #tpu.memory_space<hbm>>
      tpu.wait_dma2 semaphore(%arg12 : memref<!tpu.dma_semaphore, #tpu.memory_space<semaphore_mem>>) src(%dma_wait3A_57 : memref<125x128xbf16, #tpu.memory_space<hbm>>) dst(%arg9 : memref<125x128xbf16, #tpu.memory_space<vmem>>)
      %lt3A = arith.constant 39 : i32
      %lt3A_58 = arith.cmpi slt, %add3A_28, %lt3A : i32
      %convert_element_type3A = arith.extui %lt3A_58 : i1 to i32
      %cond3A = arith.constant 0 : i32
      %cond3A_59 = arith.cmpi ne, %convert_element_type3A, %cond3A : i32
      scf.if %cond3A_59 {
        %dma_wait3A_80 = arith.constant 0 : i32
        %dma_wait3A_81 = arith.constant 0 : i32
        %dma_wait3A_82 = tpu.memref_slice %arg10[%dma_wait3A_80, %dma_wait3A_81] : memref<10000x128xbf16, #tpu.memory_space<vmem_shared>> -> memref<125x128xbf16, #tpu.memory_space<vmem_shared>>
        %dma_wait3A_83 = arith.constant 0 : i32
        %dma_wait3A_84 = arith.constant 0 : i32
        %dma_wait3A_85 = tpu.memref_slice %arg10[%dma_wait3A_83, %dma_wait3A_84] : memref<10000x128xbf16, #tpu.memory_space<vmem_shared>> -> memref<125x128xbf16, #tpu.memory_space<vmem_shared>>
        tpu.wait_dma2 semaphore(%arg13 : memref<!tpu.dma_semaphore, #tpu.memory_space<semaphore_mem>>) src(%arg8 : memref<125x128xbf16, #tpu.memory_space<vmem>>) dst(%dma_wait3A_85 : memref<125x128xbf16, #tpu.memory_space<vmem_shared>>)
        %mul3A_86 = arith.constant 2 : i32
        %mul3A_87 = arith.muli %mul3A_86, %add3A_28 : i32
        %add3A_88 = arith.constant 2 : i32
        %add3A_89 = arith.addi %mul3A_87, %add3A_88 : i32
        %dma_start3A_90 = arith.constant 0 : i32
        %dma_start3A_91 = tpu.memref_slice %arg6[%add3A_89, %dma_start3A_90] : memref<80x125xi32, #tpu.memory_space<vmem>> -> memref<1x125xi32, #tpu.memory_space<vmem>>
        %dma_start3A_92 = tpu.memref_squeeze %dma_start3A_91 : memref<1x125xi32, #tpu.memory_space<vmem>> -> memref<125xi32, #tpu.memory_space<vmem>>
        %dma_start3A_93 = arith.constant 0 : i32
        %dma_start3A_94 = arith.constant 0 : i32
        %dma_start3A_95 = tpu.memref_slice %arg2[%dma_start3A_93, %dma_start3A_94] : memref<10000x128xbf16, #tpu.memory_space<hbm>> -> memref<10000x128xbf16, #tpu.memory_space<hbm>>
        tpu.enqueue_indirect_dma source(%dma_start3A_95 : memref<10000x128xbf16, #tpu.memory_space<hbm>>) target(%arg8 : memref<125x128xbf16, #tpu.memory_space<vmem>>) offsets(%dma_start3A_92 : memref<125xi32, #tpu.memory_space<vmem>>) semaphore(%arg11 : memref<!tpu.dma_semaphore, #tpu.memory_space<semaphore_mem>>)
      } else {
      }
      %mul3A_60 = arith.constant 2 : i32
      %mul3A_61 = arith.muli %mul3A_60, %add3A_28 : i32
      %add3A_62 = arith.constant 1 : i32
      %add3A_63 = arith.addi %mul3A_61, %add3A_62 : i32
      %dma_start3A_64 = arith.constant 0 : i32
      %dma_start3A_65 = tpu.memref_slice %arg7[%add3A_63, %dma_start3A_64] : memref<80x125xi32, #tpu.memory_space<vmem>> -> memref<1x125xi32, #tpu.memory_space<vmem>>
      %dma_start3A_66 = tpu.memref_squeeze %dma_start3A_65 : memref<1x125xi32, #tpu.memory_space<vmem>> -> memref<125xi32, #tpu.memory_space<vmem>>
      %dma_start3A_67 = arith.constant 0 : i32
      %dma_start3A_68 = arith.constant 0 : i32
      %dma_start3A_69 = tpu.memref_slice %arg10[%dma_start3A_67, %dma_start3A_68] : memref<10000x128xbf16, #tpu.memory_space<vmem_shared>> -> memref<10000x128xbf16, #tpu.memory_space<vmem_shared>>
      tpu.enqueue_indirect_dma source(%arg9 : memref<125x128xbf16, #tpu.memory_space<vmem>>) target(%dma_start3A_69 : memref<10000x128xbf16, #tpu.memory_space<vmem_shared>>) offsets(%dma_start3A_66 : memref<125xi32, #tpu.memory_space<vmem>>) semaphore(%arg14 : memref<!tpu.dma_semaphore, #tpu.memory_space<semaphore_mem>>) {add = true}
      %dma_wait3A_70 = arith.constant 0 : i32
      %dma_wait3A_71 = arith.constant 0 : i32
      %dma_wait3A_72 = tpu.memref_slice %arg10[%dma_wait3A_70, %dma_wait3A_71] : memref<10000x128xbf16, #tpu.memory_space<vmem_shared>> -> memref<125x128xbf16, #tpu.memory_space<vmem_shared>>
      %dma_wait3A_73 = arith.constant 0 : i32
      %dma_wait3A_74 = arith.constant 0 : i32
      %dma_wait3A_75 = tpu.memref_slice %arg10[%dma_wait3A_73, %dma_wait3A_74] : memref<10000x128xbf16, #tpu.memory_space<vmem_shared>> -> memref<125x128xbf16, #tpu.memory_space<vmem_shared>>
      tpu.wait_dma2 semaphore(%arg14 : memref<!tpu.dma_semaphore, #tpu.memory_space<semaphore_mem>>) src(%arg9 : memref<125x128xbf16, #tpu.memory_space<vmem>>) dst(%dma_wait3A_75 : memref<125x128xbf16, #tpu.memory_space<vmem_shared>>)
      %eq3A = arith.constant 39 : i32
      %eq3A_76 = arith.cmpi eq, %add3A_28, %eq3A : i32
      %convert_element_type3A_77 = arith.extui %eq3A_76 : i1 to i32
      %cond3A_78 = arith.constant 0 : i32
      %cond3A_79 = arith.cmpi ne, %convert_element_type3A_77, %cond3A_78 : i32
      scf.if %cond3A_79 {
        %dma_wait3A_80 = arith.constant 0 : i32
        %dma_wait3A_81 = arith.constant 0 : i32
        %dma_wait3A_82 = tpu.memref_slice %arg10[%dma_wait3A_80, %dma_wait3A_81] : memref<10000x128xbf16, #tpu.memory_space<vmem_shared>> -> memref<125x128xbf16, #tpu.memory_space<vmem_shared>>
        %dma_wait3A_83 = arith.constant 0 : i32
        %dma_wait3A_84 = arith.constant 0 : i32
        %dma_wait3A_85 = tpu.memref_slice %arg10[%dma_wait3A_83, %dma_wait3A_84] : memref<10000x128xbf16, #tpu.memory_space<vmem_shared>> -> memref<125x128xbf16, #tpu.memory_space<vmem_shared>>
        tpu.wait_dma2 semaphore(%arg13 : memref<!tpu.dma_semaphore, #tpu.memory_space<semaphore_mem>>) src(%arg8 : memref<125x128xbf16, #tpu.memory_space<vmem>>) dst(%dma_wait3A_85 : memref<125x128xbf16, #tpu.memory_space<vmem_shared>>)
      } else {
      }
    }
    %scan3A_22 = arith.constant 40 : i32
    %barrier3A_23 = arith.constant 0 : index
    tpu.barrier barrier_id(%barrier3A_23)
    "tpu.region"() ({
      %run_scoped3A = tpu.sem_alloc : memref<!tpu.dma_semaphore, #tpu.memory_space<semaphore_mem>>
      %dma_start3A_24 = arith.constant 0 : i32
      %dma_start3A_25 = tpu.memref_slice %arg5[%arg0, %mul3A_2, %dma_start3A_24] : memref<2x10000x128xbf16, #tpu.memory_space<hbm>> -> memref<1x625x128xbf16, #tpu.memory_space<hbm>>
      %dma_start3A_26 = tpu.memref_squeeze %dma_start3A_25 : memref<1x625x128xbf16, #tpu.memory_space<hbm>> -> memref<625x128xbf16, #tpu.memory_space<hbm>>
      %dma_start3A_27 = arith.constant 0 : i32
      %dma_start3A_28 = tpu.memref_slice %arg10[%mul3A_2, %dma_start3A_27] : memref<10000x128xbf16, #tpu.memory_space<vmem_shared>> -> memref<625x128xbf16, #tpu.memory_space<vmem_shared>>
      tpu.enqueue_dma source(%dma_start3A_28 : memref<625x128xbf16, #tpu.memory_space<vmem_shared>>) target(%dma_start3A_26 : memref<625x128xbf16, #tpu.memory_space<hbm>>) target_semaphore(%run_scoped3A : memref<!tpu.dma_semaphore, #tpu.memory_space<semaphore_mem>>)
      %dma_wait3A = arith.constant 0 : i32
      %dma_wait3A_29 = tpu.memref_slice %arg5[%arg0, %mul3A_2, %dma_wait3A] : memref<2x10000x128xbf16, #tpu.memory_space<hbm>> -> memref<1x625x128xbf16, #tpu.memory_space<hbm>>
      %dma_wait3A_30 = tpu.memref_squeeze %dma_wait3A_29 : memref<1x625x128xbf16, #tpu.memory_space<hbm>> -> memref<625x128xbf16, #tpu.memory_space<hbm>>
      %dma_wait3A_31 = arith.constant 0 : i32
      %dma_wait3A_32 = tpu.memref_slice %arg10[%mul3A_2, %dma_wait3A_31] : memref<10000x128xbf16, #tpu.memory_space<vmem_shared>> -> memref<625x128xbf16, #tpu.memory_space<vmem_shared>>
      tpu.wait_dma2 semaphore(%run_scoped3A : memref<!tpu.dma_semaphore, #tpu.memory_space<semaphore_mem>>) src(%dma_wait3A_32 : memref<625x128xbf16, #tpu.memory_space<vmem_shared>>) dst(%dma_wait3A_30 : memref<625x128xbf16, #tpu.memory_space<hbm>>)
      tpu.yield
    }) : () -> ()
    return
  }
}

module attributes {stable_mosaic.version = 14 : i64} {
  func.func @body(%arg0: i32, %arg1: memref<2x1000x16xf32, #tpu.memory_space<vmem>>, %arg2: memref<1000x128xf32, #tpu.memory_space<vmem>>, %arg3: memref<128x128xf32, #tpu.memory_space<vmem>>, %arg4: memref<1000x128xbf16, #tpu.memory_space<vmem>>, %arg5: memref<1000x1xf32, #tpu.memory_space<vmem>>) attributes {dimension_semantics = [#tpu.dimension_semantics<arbitrary>], iteration_bounds = array<i64: 10>, scalar_prefetch = 0 : i64, scratch_operands = 0 : i64, tpu.core_type = #tpu.core_type<tc>, window_params = [{transform_indices = @transform_0, window_bounds = array<i64: 2, 1000, 16>}, {transform_indices = @transform_1, window_bounds = array<i64: 1000, 128>}, {pipeline_mode = #tpu.pipeline_mode<synchronous>, transform_indices = @transform_2, window_bounds = array<i64: 128, 128>}, {transform_indices = @transform_3, window_bounds = array<i64: 1000, 128>}, {transform_indices = @transform_4, window_bounds = array<i64: 1000, 1>}]} {
    %get3A = arith.constant 0 : index
    %get3A_0 = arith.constant 0 : index
    %get3A_1 = arith.constant 0 : index
    %get3A_2 = vector.load %arg1[%get3A, %get3A_0, %get3A_1] : memref<2x1000x16xf32, #tpu.memory_space<vmem>>, vector<1x1000x1xf32>
    %get3A_3 = vector.shape_cast %get3A_2 : vector<1x1000x1xf32> to vector<1000x1xf32>
    %get3A_4 = arith.constant 1 : index
    %get3A_5 = arith.constant 0 : index
    %get3A_6 = arith.constant 0 : index
    %get3A_7 = vector.load %arg1[%get3A_4, %get3A_5, %get3A_6] : memref<2x1000x16xf32, #tpu.memory_space<vmem>>, vector<1x1000x1xf32>
    %get3A_8 = vector.shape_cast %get3A_7 : vector<1x1000x1xf32> to vector<1000x1xf32>
    %add3A = arith.addf %get3A_3, %get3A_8 : vector<1000x1xf32>
    %add3A_9 = arith.constant 1.000000e+00 : f32
    %add3A_10 = vector.broadcast %add3A_9 : f32 to vector<1000x1xf32>
    %add3A_11 = arith.addf %add3A, %add3A_10 : vector<1000x1xf32>
    %max3A = arith.constant 1.000000e+00 : f32
    %max3A_12 = vector.broadcast %max3A : f32 to vector<1000x1xf32>
    %max3A_13 = arith.maximumf %add3A_11, %max3A_12 : vector<1000x1xf32>
    %rsqrt3A = math.rsqrt %max3A_13 : vector<1000x1xf32>
    %get3A_14 = arith.constant 0 : index
    %get3A_15 = arith.constant 0 : index
    %get3A_16 = vector.load %arg2[%get3A_14, %get3A_15] : memref<1000x128xf32, #tpu.memory_space<vmem>>, vector<1000x128xf32>
    %get3A_17 = arith.constant 0 : index
    %get3A_18 = arith.constant 0 : index
    %get3A_19 = vector.load %arg3[%get3A_17, %get3A_18] : memref<128x128xf32, #tpu.memory_space<vmem>>, vector<128x128xf32>
    %dot_general3A = arith.constant dense<0.000000e+00> : vector<1000x128xf32>
    %dot_general3A_20 = tpu.matmul %get3A_16, %get3A_19, %dot_general3A {dimension_numbers = #tpu.dot_dimension_numbers<[1], [0], [0], [1], [0, 0, 1, 1], [], []>, transpose_lhs_hint = false} : vector<1000x128xf32>, vector<128x128xf32>, vector<1000x128xf32> -> vector<1000x128xf32>
    %mul3A = vector.broadcast %rsqrt3A : vector<1000x1xf32> to vector<1000x128xf32>
    %mul3A_21 = arith.mulf %dot_general3A_20, %mul3A : vector<1000x128xf32>
    %convert_element_type3A = arith.truncf %mul3A_21 : vector<1000x128xf32> to vector<1000x128xbf16>
    %swap3A = arith.constant 0 : index
    %swap3A_22 = arith.constant 0 : index
    %swap3A_23 = vector.load %arg4[%swap3A, %swap3A_22] : memref<1000x128xbf16, #tpu.memory_space<vmem>>, vector<1000x128xbf16>
    tpu.vector_store %arg4[%swap3A, %swap3A_22], %convert_element_type3A {strides = array<i32>} : memref<1000x128xbf16, #tpu.memory_space<vmem>>, vector<1000x128xbf16>,
    %swap3A_24 = arith.constant 0 : index
    %swap3A_25 = arith.constant 0 : index
    %swap3A_26 = vector.load %arg5[%swap3A_24, %swap3A_25] : memref<1000x1xf32, #tpu.memory_space<vmem>>, vector<1000x1xf32>
    tpu.vector_store %arg5[%swap3A_24, %swap3A_25], %rsqrt3A {strides = array<i32>} : memref<1000x1xf32, #tpu.memory_space<vmem>>, vector<1000x1xf32>,
    return
  }
  func.func @transform_0(%arg0: i32) -> (i32, i32, i32) {
    %c0_i32 = arith.constant 0 : i32
    %c0_i32_0 = arith.constant 0 : i32
    %c0_i32_1 = arith.constant 0 : i32
    return %c0_i32, %arg0, %c0_i32_0 : i32, i32, i32
  }
  func.func @transform_1(%arg0: i32) -> (i32, i32) {
    %c0_i32 = arith.constant 0 : i32
    %c0_i32_0 = arith.constant 0 : i32
    return %arg0, %c0_i32 : i32, i32
  }
  func.func @transform_2(%arg0: i32) -> (i32, i32) {
    %c0_i32 = arith.constant 0 : i32
    %c0_i32_0 = arith.constant 0 : i32
    %c0_i32_1 = arith.constant 0 : i32
    return %c0_i32, %c0_i32_0 : i32, i32
  }
  func.func @transform_3(%arg0: i32) -> (i32, i32) {
    %c0_i32 = arith.constant 0 : i32
    %c0_i32_0 = arith.constant 0 : i32
    return %arg0, %c0_i32 : i32, i32
  }
  func.func @transform_4(%arg0: i32) -> (i32, i32) {
    %c0_i32 = arith.constant 0 : i32
    %c0_i32_0 = arith.constant 0 : i32
    return %arg0, %c0_i32 : i32, i32
  }
}

module attributes {stable_mosaic.version = 14 : i64} {
  func.func @body(%arg0: i32, %arg1: memref<2x1000x128xbf16, #tpu.memory_space<vmem>>, %arg2: memref<1000x128xbf16, #tpu.memory_space<vmem>>, %arg3: memref<1000x1xf32, #tpu.memory_space<vmem>>, %arg4: memref<8x128xf32, #tpu.memory_space<vmem>>, %arg5: memref<128x128xf32, #tpu.memory_space<vmem>>, %arg6: memref<1000x128xbf16, #tpu.memory_space<vmem>>) attributes {dimension_semantics = [#tpu.dimension_semantics<arbitrary>], iteration_bounds = array<i64: 10>, scalar_prefetch = 0 : i64, scratch_operands = 0 : i64, tpu.core_type = #tpu.core_type<tc>, window_params = [{transform_indices = @transform_0, window_bounds = array<i64: 2, 1000, 128>}, {transform_indices = @transform_1, window_bounds = array<i64: 1000, 128>}, {transform_indices = @transform_2, window_bounds = array<i64: 1000, 1>}, {pipeline_mode = #tpu.pipeline_mode<synchronous>, transform_indices = @transform_3, window_bounds = array<i64: 8, 128>}, {pipeline_mode = #tpu.pipeline_mode<synchronous>, transform_indices = @transform_4, window_bounds = array<i64: 128, 128>}, {transform_indices = @transform_5, window_bounds = array<i64: 1000, 128>}]} {
    %get3A = arith.constant 0 : index
    %get3A_0 = arith.constant 0 : index
    %get3A_1 = arith.constant 0 : index
    %get3A_2 = vector.load %arg1[%get3A, %get3A_0, %get3A_1] : memref<2x1000x128xbf16, #tpu.memory_space<vmem>>, vector<1x1000x128xbf16>
    %get3A_3 = vector.shape_cast %get3A_2 : vector<1x1000x128xbf16> to vector<1000x128xbf16>
    %convert_element_type3A = arith.extf %get3A_3 : vector<1000x128xbf16> to vector<1000x128xf32>
    %get3A_4 = arith.constant 1 : index
    %get3A_5 = arith.constant 0 : index
    %get3A_6 = arith.constant 0 : index
    %get3A_7 = vector.load %arg1[%get3A_4, %get3A_5, %get3A_6] : memref<2x1000x128xbf16, #tpu.memory_space<vmem>>, vector<1x1000x128xbf16>
    %get3A_8 = vector.shape_cast %get3A_7 : vector<1x1000x128xbf16> to vector<1000x128xbf16>
    %convert_element_type3A_9 = arith.extf %get3A_8 : vector<1000x128xbf16> to vector<1000x128xf32>
    %add3A = arith.addf %convert_element_type3A, %convert_element_type3A_9 : vector<1000x128xf32>
    %get3A_10 = arith.constant 0 : index
    %get3A_11 = arith.constant 0 : index
    %get3A_12 = vector.load %arg2[%get3A_10, %get3A_11] : memref<1000x128xbf16, #tpu.memory_space<vmem>>, vector<1000x128xbf16>
    %convert_element_type3A_13 = arith.extf %get3A_12 : vector<1000x128xbf16> to vector<1000x128xf32>
    %add3A_14 = arith.addf %add3A, %convert_element_type3A_13 : vector<1000x128xf32>
    %get3A_15 = arith.constant 0 : index
    %get3A_16 = arith.constant 0 : index
    %get3A_17 = vector.load %arg3[%get3A_15, %get3A_16] : memref<1000x1xf32, #tpu.memory_space<vmem>>, vector<1000x1xf32>
    %mul3A = vector.broadcast %get3A_17 : vector<1000x1xf32> to vector<1000x128xf32>
    %mul3A_18 = arith.mulf %add3A_14, %mul3A : vector<1000x128xf32>
    %get3A_19 = arith.constant 0 : index
    %get3A_20 = arith.constant 0 : index
    %get3A_21 = vector.load %arg4[%get3A_19, %get3A_20] : memref<8x128xf32, #tpu.memory_space<vmem>>, vector<1x128xf32>
    %add3A_22 = vector.broadcast %get3A_21 : vector<1x128xf32> to vector<1000x128xf32>
    %add3A_23 = arith.addf %mul3A_18, %add3A_22 : vector<1000x128xf32>
    %max3A = arith.constant 0.000000e+00 : f32
    %max3A_24 = vector.broadcast %max3A : f32 to vector<1000x128xf32>
    %max3A_25 = arith.maximumf %add3A_23, %max3A_24 : vector<1000x128xf32>
    %get3A_26 = arith.constant 0 : index
    %get3A_27 = arith.constant 0 : index
    %get3A_28 = vector.load %arg5[%get3A_26, %get3A_27] : memref<128x128xf32, #tpu.memory_space<vmem>>, vector<128x128xf32>
    %dot_general3A = arith.constant dense<0.000000e+00> : vector<1000x128xf32>
    %dot_general3A_29 = tpu.matmul %max3A_25, %get3A_28, %dot_general3A {dimension_numbers = #tpu.dot_dimension_numbers<[1], [0], [0], [1], [0, 0, 1, 1], [], []>, transpose_lhs_hint = false} : vector<1000x128xf32>, vector<128x128xf32>, vector<1000x128xf32> -> vector<1000x128xf32>
    %get3A_30 = arith.constant 0 : index
    %get3A_31 = arith.constant 0 : index
    %get3A_32 = vector.load %arg3[%get3A_30, %get3A_31] : memref<1000x1xf32, #tpu.memory_space<vmem>>, vector<1000x1xf32>
    %mul3A_33 = vector.broadcast %get3A_32 : vector<1000x1xf32> to vector<1000x128xf32>
    %mul3A_34 = arith.mulf %dot_general3A_29, %mul3A_33 : vector<1000x128xf32>
    %convert_element_type3A_35 = arith.truncf %mul3A_34 : vector<1000x128xf32> to vector<1000x128xbf16>
    %swap3A = arith.constant 0 : index
    %swap3A_36 = arith.constant 0 : index
    %swap3A_37 = vector.load %arg6[%swap3A, %swap3A_36] : memref<1000x128xbf16, #tpu.memory_space<vmem>>, vector<1000x128xbf16>
    tpu.vector_store %arg6[%swap3A, %swap3A_36], %convert_element_type3A_35 {strides = array<i32>} : memref<1000x128xbf16, #tpu.memory_space<vmem>>, vector<1000x128xbf16>,
    return
  }
  func.func @transform_0(%arg0: i32) -> (i32, i32, i32) {
    %c0_i32 = arith.constant 0 : i32
    %c0_i32_0 = arith.constant 0 : i32
    %c0_i32_1 = arith.constant 0 : i32
    return %c0_i32, %arg0, %c0_i32_0 : i32, i32, i32
  }
  func.func @transform_1(%arg0: i32) -> (i32, i32) {
    %c0_i32 = arith.constant 0 : i32
    %c0_i32_0 = arith.constant 0 : i32
    return %arg0, %c0_i32 : i32, i32
  }
  func.func @transform_2(%arg0: i32) -> (i32, i32) {
    %c0_i32 = arith.constant 0 : i32
    %c0_i32_0 = arith.constant 0 : i32
    return %arg0, %c0_i32 : i32, i32
  }
  func.func @transform_3(%arg0: i32) -> (i32, i32) {
    %c0_i32 = arith.constant 0 : i32
    %c0_i32_0 = arith.constant 0 : i32
    %c0_i32_1 = arith.constant 0 : i32
    return %c0_i32, %c0_i32_0 : i32, i32
  }
  func.func @transform_4(%arg0: i32) -> (i32, i32) {
    %c0_i32 = arith.constant 0 : i32
    %c0_i32_0 = arith.constant 0 : i32
    %c0_i32_1 = arith.constant 0 : i32
    return %c0_i32, %c0_i32_0 : i32, i32
  }
  func.func @transform_5(%arg0: i32) -> (i32, i32) {
    %c0_i32 = arith.constant 0 : i32
    %c0_i32_0 = arith.constant 0 : i32
    return %arg0, %c0_i32 : i32, i32
  }
}

module attributes {stable_mosaic.version = 14 : i64} {
  func.func @body(%arg0: i32, %arg1: memref<2x10000x128xbf16, #tpu.memory_space<vmem>>, %arg2: memref<10000x128xbf16, #tpu.memory_space<vmem>>, %arg3: memref<10000x1xf32, #tpu.memory_space<vmem>>, %arg4: memref<10000x1xi32, #tpu.memory_space<vmem>>, %arg5: memref<8x128xf32, #tpu.memory_space<vmem>>, %arg6: memref<128x8xf32, #tpu.memory_space<vmem>>, %arg7: memref<8x128xf32, #tpu.memory_space<vmem>>, %arg8: memref<128x128xf32, #tpu.memory_space<vmem>>, %arg9: memref<8x128xf32, #tpu.memory_space<vmem>>, %arg10: memref<128x128xf32, #tpu.memory_space<vmem>>, %arg11: memref<8x128xf32, #tpu.memory_space<vmem>>, %arg12: memref<128x128xf32, #tpu.memory_space<vmem>>, %arg13: memref<8x128xf32, #tpu.memory_space<vmem>>, %arg14: memref<16x2xf32, #tpu.memory_space<vmem>>) attributes {dimension_semantics = [#tpu.dimension_semantics<arbitrary>], iteration_bounds = array<i64: 1>, scalar_prefetch = 0 : i64, scratch_operands = 0 : i64, tpu.core_type = #tpu.core_type<tc>, window_params = [{pipeline_mode = #tpu.pipeline_mode<synchronous>, transform_indices = @transform_0, window_bounds = array<i64: 2, 10000, 128>}, {pipeline_mode = #tpu.pipeline_mode<synchronous>, transform_indices = @transform_1, window_bounds = array<i64: 10000, 128>}, {pipeline_mode = #tpu.pipeline_mode<synchronous>, transform_indices = @transform_2, window_bounds = array<i64: 10000, 1>}, {pipeline_mode = #tpu.pipeline_mode<synchronous>, transform_indices = @transform_3, window_bounds = array<i64: 10000, 1>}, {pipeline_mode = #tpu.pipeline_mode<synchronous>, transform_indices = @transform_4, window_bounds = array<i64: 8, 128>}, {pipeline_mode = #tpu.pipeline_mode<synchronous>, transform_indices = @transform_5, window_bounds = array<i64: 128, 8>}, {pipeline_mode = #tpu.pipeline_mode<synchronous>, transform_indices = @transform_6, window_bounds = array<i64: 8, 128>}, {pipeline_mode = #tpu.pipeline_mode<synchronous>, transform_indices = @transform_7, window_bounds = array<i64: 128, 128>}, {pipeline_mode = #tpu.pipeline_mode<synchronous>, transform_indices = @transform_8, window_bounds = array<i64: 8, 128>}, {pipeline_mode = #tpu.pipeline_mode<synchronous>, transform_indices = @transform_9, window_bounds = array<i64: 128, 128>}, {pipeline_mode = #tpu.pipeline_mode<synchronous>, transform_indices = @transform_10, window_bounds = array<i64: 8, 128>}, {pipeline_mode = #tpu.pipeline_mode<synchronous>, transform_indices = @transform_11, window_bounds = array<i64: 128, 128>}, {pipeline_mode = #tpu.pipeline_mode<synchronous>, transform_indices = @transform_12, window_bounds = array<i64: 8, 128>}, {pipeline_mode = #tpu.pipeline_mode<synchronous>, transform_indices = @transform_13, window_bounds = array<i64: 16, 2>}]} {
    %get3A = arith.constant 0 : index
    %get3A_0 = arith.constant 0 : index
    %get3A_1 = arith.constant 0 : index
    %get3A_2 = vector.load %arg1[%get3A, %get3A_0, %get3A_1] : memref<2x10000x128xbf16, #tpu.memory_space<vmem>>, vector<1x10000x128xbf16>
    %get3A_3 = vector.shape_cast %get3A_2 : vector<1x10000x128xbf16> to vector<10000x128xbf16>
    %convert_element_type3A = arith.extf %get3A_3 : vector<10000x128xbf16> to vector<10000x128xf32>
    %get3A_4 = arith.constant 1 : index
    %get3A_5 = arith.constant 0 : index
    %get3A_6 = arith.constant 0 : index
    %get3A_7 = vector.load %arg1[%get3A_4, %get3A_5, %get3A_6] : memref<2x10000x128xbf16, #tpu.memory_space<vmem>>, vector<1x10000x128xbf16>
    %get3A_8 = vector.shape_cast %get3A_7 : vector<1x10000x128xbf16> to vector<10000x128xbf16>
    %convert_element_type3A_9 = arith.extf %get3A_8 : vector<10000x128xbf16> to vector<10000x128xf32>
    %add3A = arith.addf %convert_element_type3A, %convert_element_type3A_9 : vector<10000x128xf32>
    %get3A_10 = arith.constant 0 : index
    %get3A_11 = arith.constant 0 : index
    %get3A_12 = vector.load %arg2[%get3A_10, %get3A_11] : memref<10000x128xbf16, #tpu.memory_space<vmem>>, vector<10000x128xbf16>
    %convert_element_type3A_13 = arith.extf %get3A_12 : vector<10000x128xbf16> to vector<10000x128xf32>
    %add3A_14 = arith.addf %add3A, %convert_element_type3A_13 : vector<10000x128xf32>
    %get3A_15 = arith.constant 0 : index
    %get3A_16 = arith.constant 0 : index
    %get3A_17 = vector.load %arg3[%get3A_15, %get3A_16] : memref<10000x1xf32, #tpu.memory_space<vmem>>, vector<10000x1xf32>
    %mul3A = vector.broadcast %get3A_17 : vector<10000x1xf32> to vector<10000x128xf32>
    %mul3A_18 = arith.mulf %add3A_14, %mul3A : vector<10000x128xf32>
    %get3A_19 = arith.constant 0 : index
    %get3A_20 = arith.constant 0 : index
    %get3A_21 = vector.load %arg5[%get3A_19, %get3A_20] : memref<8x128xf32, #tpu.memory_space<vmem>>, vector<1x128xf32>
    %add3A_22 = vector.broadcast %get3A_21 : vector<1x128xf32> to vector<10000x128xf32>
    %add3A_23 = arith.addf %mul3A_18, %add3A_22 : vector<10000x128xf32>
    %get3A_24 = arith.constant 0 : index
    %get3A_25 = arith.constant 0 : index
    %get3A_26 = vector.load %arg6[%get3A_24, %get3A_25] : memref<128x8xf32, #tpu.memory_space<vmem>>, vector<128x8xf32>
    %dot_general3A = arith.constant dense<0.000000e+00> : vector<10000x8xf32>
    %dot_general3A_27 = tpu.matmul %add3A_23, %get3A_26, %dot_general3A {dimension_numbers = #tpu.dot_dimension_numbers<[1], [0], [0], [1], [0, 0, 1, 1], [], []>, transpose_lhs_hint = false} : vector<10000x128xf32>, vector<128x8xf32>, vector<10000x8xf32> -> vector<10000x8xf32>
    %slice3A = vector.extract_strided_slice %dot_general3A_27 {offsets = [0, 0], sizes = [10000, 1], strides = [1, 1]} : vector<10000x8xf32> to vector<10000x1xf32>
    %get3A_28 = arith.constant 0 : index
    %get3A_29 = arith.constant 0 : index
    %get3A_30 = vector.load %arg7[%get3A_28, %get3A_29] : memref<8x128xf32, #tpu.memory_space<vmem>>, vector<1x1xf32>
    %add3A_31 = vector.broadcast %get3A_30 : vector<1x1xf32> to vector<10000x1xf32>
    %add3A_32 = arith.addf %slice3A, %add3A_31 : vector<10000x1xf32>
    %ge3A = arith.constant 0.000000e+00 : f32
    %ge3A_33 = vector.broadcast %ge3A : f32 to vector<10000x1xf32>
    %ge3A_34 = arith.cmpf oge, %add3A_32, %ge3A_33 : vector<10000x1xf32>
    %mul3A_35 = arith.constant 0.00999999977 : f32
    %mul3A_36 = vector.broadcast %mul3A_35 : f32 to vector<10000x1xf32>
    %mul3A_37 = arith.mulf %mul3A_36, %add3A_32 : vector<10000x1xf32>
    %select_n3A = arith.select %ge3A_34, %add3A_32, %mul3A_37 : vector<10000x1xi1>, vector<10000x1xf32>
    %reduce_max3A = vector.shape_cast %select_n3A : vector<10000x1xf32> to vector<1x10000x1xf32>
    %reduce_max3A_38 = arith.constant dense<0xFF800000> : vector<1xf32>
    %reduce_max3A_39 = vector.multi_reduction <maximumf>, %reduce_max3A, %reduce_max3A_38 [1, 2] : vector<1x10000x1xf32> to vector<1xf32>
    %reduce_max3A_40 = vector.shape_cast %reduce_max3A_39 : vector<1xf32> to vector<1x1x1xf32>
    %reduce_max3A_41 = vector.extract %reduce_max3A_40[0, 0, 0] : f32 from vector<1x1x1xf32>
    %sub3A = vector.broadcast %reduce_max3A_41 : f32 to vector<10000x1xf32>
    %sub3A_42 = arith.subf %select_n3A, %sub3A : vector<10000x1xf32>
    %exp3A = math.exp %sub3A_42 : vector<10000x1xf32>
    %reduce_sum3A = vector.shape_cast %exp3A : vector<10000x1xf32> to vector<1x10000x1xf32>
    %reduce_sum3A_43 = arith.constant dense<0.000000e+00> : vector<1xf32>
    %reduce_sum3A_44 = vector.multi_reduction <add>, %reduce_sum3A, %reduce_sum3A_43 [1, 2] : vector<1x10000x1xf32> to vector<1xf32>
    %reduce_sum3A_45 = vector.shape_cast %reduce_sum3A_44 : vector<1xf32> to vector<1x1x1xf32>
    %reduce_sum3A_46 = vector.extract %reduce_sum3A_45[0, 0, 0] : f32 from vector<1x1x1xf32>
    %iota3A = tpu.iota {dimensions = array<i32: 1>} : vector<10000x16xi32>
    %get3A_47 = arith.constant 0 : index
    %get3A_48 = arith.constant 0 : index
    %get3A_49 = vector.load %arg4[%get3A_47, %get3A_48] : memref<10000x1xi32, #tpu.memory_space<vmem>>, vector<10000x1xi32>
    %eq3A = vector.broadcast %get3A_49 : vector<10000x1xi32> to vector<10000x16xi32>
    %eq3A_50 = arith.cmpi eq, %eq3A, %iota3A : vector<10000x16xi32>
    %convert_element_type3A_51 = arith.extui %eq3A_50 : vector<10000x16xi1> to vector<10000x16xi32>
    %convert_element_type3A_52 = arith.sitofp %convert_element_type3A_51 : vector<10000x16xi32> to vector<10000x16xf32>
    %reduce_sum3A_53 = arith.constant dense<0.000000e+00> : vector<16xf32>
    %reduce_sum3A_54 = vector.multi_reduction <add>, %convert_element_type3A_52, %reduce_sum3A_53 [0] : vector<10000x16xf32> to vector<16xf32>
    %mul3A_55 = vector.broadcast %exp3A : vector<10000x1xf32> to vector<10000x16xf32>
    %mul3A_56 = arith.mulf %convert_element_type3A_52, %mul3A_55 : vector<10000x16xf32>
    %dot_general3A_57 = arith.constant dense<0.000000e+00> : vector<16x128xf32>
    %dot_general3A_58 = tpu.matmul %mul3A_56, %add3A_23, %dot_general3A_57 {dimension_numbers = #tpu.dot_dimension_numbers<[0], [0], [1], [1], [0, 1, 1, 1], [], []>, transpose_lhs_hint = false} : vector<10000x16xf32>, vector<10000x128xf32>, vector<16x128xf32> -> vector<16x128xf32>
    %max3A = arith.constant 1.000000e+00 : f32
    %max3A_59 = vector.broadcast %max3A : f32 to vector<16xf32>
    %max3A_60 = arith.maximumf %reduce_sum3A_54, %max3A_59 : vector<16xf32>
    %mul3A_61 = vector.broadcast %reduce_sum3A_46 : f32 to vector<16xf32>
    %mul3A_62 = arith.mulf %mul3A_61, %max3A_60 : vector<16xf32>
    %broadcast_in_dim3A = vector.shape_cast %mul3A_62 : vector<16xf32> to vector<16x1xf32>
    %div3A = vector.broadcast %broadcast_in_dim3A : vector<16x1xf32> to vector<16x128xf32>
    %div3A_63 = arith.divf %dot_general3A_58, %div3A : vector<16x128xf32>
    %get3A_64 = arith.constant 0 : index
    %get3A_65 = arith.constant 0 : index
    %get3A_66 = vector.load %arg8[%get3A_64, %get3A_65] : memref<128x128xf32, #tpu.memory_space<vmem>>, vector<128x128xf32>
    %dot_general3A_67 = arith.constant dense<0.000000e+00> : vector<16x128xf32>
    %dot_general3A_68 = tpu.matmul %div3A_63, %get3A_66, %dot_general3A_67 {dimension_numbers = #tpu.dot_dimension_numbers<[1], [0], [0], [1], [0, 0, 1, 1], [], []>, transpose_lhs_hint = false} : vector<16x128xf32>, vector<128x128xf32>, vector<16x128xf32> -> vector<16x128xf32>
    %get3A_69 = arith.constant 0 : index
    %get3A_70 = arith.constant 0 : index
    %get3A_71 = vector.load %arg9[%get3A_69, %get3A_70] : memref<8x128xf32, #tpu.memory_space<vmem>>, vector<1x128xf32>
    %add3A_72 = vector.broadcast %get3A_71 : vector<1x128xf32> to vector<16x128xf32>
    %add3A_73 = arith.addf %dot_general3A_68, %add3A_72 : vector<16x128xf32>
    %max3A_74 = arith.constant 0.000000e+00 : f32
    %max3A_75 = vector.broadcast %max3A_74 : f32 to vector<16x128xf32>
    %max3A_76 = arith.maximumf %add3A_73, %max3A_75 : vector<16x128xf32>
    %get3A_77 = arith.constant 0 : index
    %get3A_78 = arith.constant 0 : index
    %get3A_79 = vector.load %arg10[%get3A_77, %get3A_78] : memref<128x128xf32, #tpu.memory_space<vmem>>, vector<128x128xf32>
    %dot_general3A_80 = arith.constant dense<0.000000e+00> : vector<16x128xf32>
    %dot_general3A_81 = tpu.matmul %max3A_76, %get3A_79, %dot_general3A_80 {dimension_numbers = #tpu.dot_dimension_numbers<[1], [0], [0], [1], [0, 0, 1, 1], [], []>, transpose_lhs_hint = false} : vector<16x128xf32>, vector<128x128xf32>, vector<16x128xf32> -> vector<16x128xf32>
    %get3A_82 = arith.constant 0 : index
    %get3A_83 = arith.constant 0 : index
    %get3A_84 = vector.load %arg11[%get3A_82, %get3A_83] : memref<8x128xf32, #tpu.memory_space<vmem>>, vector<1x128xf32>
    %add3A_85 = vector.broadcast %get3A_84 : vector<1x128xf32> to vector<16x128xf32>
    %add3A_86 = arith.addf %dot_general3A_81, %add3A_85 : vector<16x128xf32>
    %max3A_87 = arith.constant 0.000000e+00 : f32
    %max3A_88 = vector.broadcast %max3A_87 : f32 to vector<16x128xf32>
    %max3A_89 = arith.maximumf %add3A_86, %max3A_88 : vector<16x128xf32>
    %get3A_90 = arith.constant 0 : index
    %get3A_91 = arith.constant 0 : index
    %get3A_92 = vector.load %arg12[%get3A_90, %get3A_91] : memref<128x128xf32, #tpu.memory_space<vmem>>, vector<128x128xf32>
    %dot_general3A_93 = arith.constant dense<0.000000e+00> : vector<16x128xf32>
    %dot_general3A_94 = tpu.matmul %max3A_89, %get3A_92, %dot_general3A_93 {dimension_numbers = #tpu.dot_dimension_numbers<[1], [0], [0], [1], [0, 0, 1, 1], [], []>, transpose_lhs_hint = false} : vector<16x128xf32>, vector<128x128xf32>, vector<16x128xf32> -> vector<16x128xf32>
    %get3A_95 = arith.constant 0 : index
    %get3A_96 = arith.constant 0 : index
    %get3A_97 = vector.load %arg13[%get3A_95, %get3A_96] : memref<8x128xf32, #tpu.memory_space<vmem>>, vector<1x128xf32>
    %add3A_98 = vector.broadcast %get3A_97 : vector<1x128xf32> to vector<16x128xf32>
    %add3A_99 = arith.addf %dot_general3A_94, %add3A_98 : vector<16x128xf32>
    %slice3A_100 = vector.extract_strided_slice %add3A_99 {offsets = [0, 0], sizes = [16, 2], strides = [1, 1]} : vector<16x128xf32> to vector<16x2xf32>
    %reduce_max3A_101 = arith.constant dense<0xFF800000> : vector<16xf32>
    %reduce_max3A_102 = vector.multi_reduction <maximumf>, %slice3A_100, %reduce_max3A_101 [1] : vector<16x2xf32> to vector<16xf32>
    %broadcast_in_dim3A_103 = vector.shape_cast %reduce_max3A_102 : vector<16xf32> to vector<16x1xf32>
    %sub3A_104 = vector.broadcast %broadcast_in_dim3A_103 : vector<16x1xf32> to vector<16x2xf32>
    %sub3A_105 = arith.subf %slice3A_100, %sub3A_104 : vector<16x2xf32>
    %exp3A_106 = math.exp %sub3A_105 : vector<16x2xf32>
    %reduce_sum3A_107 = arith.constant dense<0.000000e+00> : vector<16xf32>
    %reduce_sum3A_108 = vector.multi_reduction <add>, %exp3A_106, %reduce_sum3A_107 [1] : vector<16x2xf32> to vector<16xf32>
    %broadcast_in_dim3A_109 = vector.shape_cast %reduce_sum3A_108 : vector<16xf32> to vector<16x1xf32>
    %div3A_110 = vector.broadcast %broadcast_in_dim3A_109 : vector<16x1xf32> to vector<16x2xf32>
    %div3A_111 = arith.divf %exp3A_106, %div3A_110 : vector<16x2xf32>
    %swap3A = arith.constant 0 : index
    %swap3A_112 = arith.constant 0 : index
    %swap3A_113 = vector.load %arg14[%swap3A, %swap3A_112] : memref<16x2xf32, #tpu.memory_space<vmem>>, vector<16x2xf32>
    tpu.vector_store %arg14[%swap3A, %swap3A_112], %div3A_111 {strides = array<i32>} : memref<16x2xf32, #tpu.memory_space<vmem>>, vector<16x2xf32>,
    return
  }
  func.func @transform_0(%arg0: i32) -> (i32, i32, i32) {
    %c0_i32 = arith.constant 0 : i32
    %c0_i32_0 = arith.constant 0 : i32
    %c0_i32_1 = arith.constant 0 : i32
    %c0_i32_2 = arith.constant 0 : i32
    return %c0_i32, %c0_i32_0, %c0_i32_1 : i32, i32, i32
  }
  func.func @transform_1(%arg0: i32) -> (i32, i32) {
    %c0_i32 = arith.constant 0 : i32
    %c0_i32_0 = arith.constant 0 : i32
    %c0_i32_1 = arith.constant 0 : i32
    return %c0_i32, %c0_i32_0 : i32, i32
  }
  func.func @transform_2(%arg0: i32) -> (i32, i32) {
    %c0_i32 = arith.constant 0 : i32
    %c0_i32_0 = arith.constant 0 : i32
    %c0_i32_1 = arith.constant 0 : i32
    return %c0_i32, %c0_i32_0 : i32, i32
  }
  func.func @transform_3(%arg0: i32) -> (i32, i32) {
    %c0_i32 = arith.constant 0 : i32
    %c0_i32_0 = arith.constant 0 : i32
    %c0_i32_1 = arith.constant 0 : i32
    return %c0_i32, %c0_i32_0 : i32, i32
  }
  func.func @transform_4(%arg0: i32) -> (i32, i32) {
    %c0_i32 = arith.constant 0 : i32
    %c0_i32_0 = arith.constant 0 : i32
    %c0_i32_1 = arith.constant 0 : i32
    return %c0_i32, %c0_i32_0 : i32, i32
  }
  func.func @transform_5(%arg0: i32) -> (i32, i32) {
    %c0_i32 = arith.constant 0 : i32
    %c0_i32_0 = arith.constant 0 : i32
    %c0_i32_1 = arith.constant 0 : i32
    return %c0_i32, %c0_i32_0 : i32, i32
  }
  func.func @transform_6(%arg0: i32) -> (i32, i32) {
    %c0_i32 = arith.constant 0 : i32
    %c0_i32_0 = arith.constant 0 : i32
    %c0_i32_1 = arith.constant 0 : i32
    return %c0_i32, %c0_i32_0 : i32, i32
  }
  func.func @transform_7(%arg0: i32) -> (i32, i32) {
    %c0_i32 = arith.constant 0 : i32
    %c0_i32_0 = arith.constant 0 : i32
    %c0_i32_1 = arith.constant 0 : i32
    return %c0_i32, %c0_i32_0 : i32, i32
  }
  func.func @transform_8(%arg0: i32) -> (i32, i32) {
    %c0_i32 = arith.constant 0 : i32
    %c0_i32_0 = arith.constant 0 : i32
    %c0_i32_1 = arith.constant 0 : i32
    return %c0_i32, %c0_i32_0 : i32, i32
  }
  func.func @transform_9(%arg0: i32) -> (i32, i32) {
    %c0_i32 = arith.constant 0 : i32
    %c0_i32_0 = arith.constant 0 : i32
    %c0_i32_1 = arith.constant 0 : i32
    return %c0_i32, %c0_i32_0 : i32, i32
  }
  func.func @transform_10(%arg0: i32) -> (i32, i32) {
    %c0_i32 = arith.constant 0 : i32
    %c0_i32_0 = arith.constant 0 : i32
    %c0_i32_1 = arith.constant 0 : i32
    return %c0_i32, %c0_i32_0 : i32, i32
  }
  func.func @transform_11(%arg0: i32) -> (i32, i32) {
    %c0_i32 = arith.constant 0 : i32
    %c0_i32_0 = arith.constant 0 : i32
    %c0_i32_1 = arith.constant 0 : i32
    return %c0_i32, %c0_i32_0 : i32, i32
  }
  func.func @transform_12(%arg0: i32) -> (i32, i32) {
    %c0_i32 = arith.constant 0 : i32
    %c0_i32_0 = arith.constant 0 : i32
    %c0_i32_1 = arith.constant 0 : i32
    return %c0_i32, %c0_i32_0 : i32, i32
  }
  func.func @transform_13(%arg0: i32) -> (i32, i32) {
    %c0_i32 = arith.constant 0 : i32
    %c0_i32_0 = arith.constant 0 : i32
    %c0_i32_1 = arith.constant 0 : i32
    return %c0_i32, %c0_i32_0 : i32, i32
  }
}

</mosaic_0001>

<sc_bundles>
// kernel: kernel.11.cloned.1.call-start
scs
__scs_entry_jumppad:
0x0: {  	(pc) =	sbr.rel $0x88, $3  }
0x1: {  	(tag) =	ssettag $0x0;
	lr =	simm.s32 $0x1  }
0x2: {  	[smem:$0x3F92] =	sst lr;
	_ =	strace $0xD0000000  }
0x3: {  	_ = 	snop  }
0x4: {  	_ = 	snop  }
0x5: {  	_ = 	snop  }
0x6: {  	_ = 	snop  }
0x7: {  	_ = 	snop  }
__scs_overlays_trampoline_lowered:
0x8: {  	[smem:$0x3FA1] =	sst s0  }
0x9: {  	[smem:$0x3FA2] =	sst s1  }
0xa: {  	[smem:$0x3FA3] =	sst s2  }
0xb: {  	[smem:$0x3FA4] =	sst s3  }
0xc: {  	[smem:$0x3FA5] =	sst s4  }
0xd: {  	[smem:$0x3FA6] =	sst s5  }
0xe: {  	[smem:$0x3FA7] =	sst s6  }
0xf: {  	[smem:$0x3FA8] =	sst s7  }
0x10: {  	[smem:$0x3FA9] =	sst s8  }
0x11: {  	[smem:$0x3FAA] =	sst s9;
	s0 =	simm.s32 @!p0 $0x0  }
0x12: {  	s1 =	sld [smem:$0x3F90];
	s0 =	simm.s32 @p0 $0x1  }
0x13: {  	[smem:$0x3FAB] =	sst s0;
	s0 =	simm.s32 @!p1 $0x0  }
0x14: {  	s2 =	sld [smem:$0x3F8F];
	s0 =	simm.s32 @p1 $0x1  }
0x15: {  	[smem:$0x3FAC] =	sst s0;
	s0 =	simm.s32 @!p2 $0x0  }
0x16: {  	s3 =	sld [smem:$0x3FDB];
	s0 =	simm.s32 @p2 $0x1  }
0x17: {  	s4 =	simm.s32 $0x1BF5;
	[smem:$0x3FAE] =	sst s0  }
0x18: {  	s0 =	sld [smem:$0x3F91];
	_ =	swait.ge [sflag:s4], $0x0  }
0x19: {  	s7 =	sld [smem:$0x3F92]  }
0x1a: {  	s8 =	sadd.s32 $0xFFFFE003, lr  }
0x1b: {  	s9 =	sadd.s32 $0xFFFFFEF7, lr;
	s5 =	simm.s32 $0xFFFFFFFF;
	p2 =	slt.u32 s8, $0xFFFFF086  }
0x1c: {  	p1 =	slt.u32 s9, $0xF7A;
	s5 =	simm.s32 @!p2 $0x0  }
0x1d: {  	s5 =	simm.s32 @p1 $0x1;
	p0 =	seq.s32 s7, s2  }
0x1e: {  	s7 =	smul.u32 @!p0 $0xF7A, s2;
	p2 =	seq.s32 @!p0 s5, $0x0  }
0x1f: {  	s9 =	smul.u32 $0xF7A, s1;
	s8 =	simm.s32 @!p0 $0x1BF5;
	p2 =	por !p2, p0  }
0x20: {  	[sflag:s8] =	ssyncset.s32 @!p0 $0xFFFFF086;
	s6 =	sadd.s32 @!p0 s3, s7;
	s7 =	simm.s32 @!p0 $0x108  }
0x21: {  	s3 =	sadd.s32 s3, s9;
	s6 =	sadd.s32 @!p0 $0x88, s6;
	s7 =	simm.s32 @p2 $0x1082  }
0x22: {  	[simem:s7], [sflag:s8] =	dma.local @!p0 [hbm:s6], $0xF7A  }
0x23: {  	s9 =	sor.u32 $0xD0000000, s2;
	s6 =	simm.s32 $0x108;
	_ =	swait.ge @!p0 [sflag:s8], $0x0  }
0x24: {  	s3 =	sadd.s32 $0x88, s3;
	s6 =	simm.s32 @!p1 $0x1082;
	[sflag:s4] =	ssyncset.s32 $0xFFFFF086  }
0x25: {  	[simem:s6], [sflag:s4] =	dma.local [hbm:s3], $0xF7A  }
0x26: {  	[smem:$0x3F92] =	sst s1;
	(tag) =	ssettag s2;
	_ =	strace s9  }
0x27: {  	s1 =	sld [smem:$0x3FA2]  }
0x28: {  	s2 =	sld [smem:$0x3FA3]  }
0x29: {  	s4 =	sld [smem:$0x3FA5]  }
0x2a: {  	p0 =	seq.s32 s5, $0x0;
	s5 =	sld [smem:$0x3FA6]  }
0x2b: {  	s6 =	sld [smem:$0x3FA7]  }
0x2c: {  	s7 =	sld [smem:$0x3FA8]  }
0x2d: {  	s3 =	simm.s32 $0x108;
	s8 =	sld [smem:$0x3FA9]  }
0x2e: {  	s3 =	simm.s32 @!p0 $0x1082;
	s9 =	sld [smem:$0x3FAA]  }
0x2f: {  	lr =	sadd.s32 s0, s3;
	s0 =	sld [smem:$0x3FA1]  }
0x30: {  	s3 =	sld [smem:$0x3FA4]  }
0x31: {  	[smem:$0x3FAD] =	sst s10  }
0x32: {  	s10 =	sld [smem:$0x3FAB];
	_ =	sdelay $0x3  }
0x33: {  	p0 =	seq.s32 s10, $0x1;
	s10 =	sld [smem:$0x3FAD];
	_ =	sdelay $0x3  }
0x34: {  	[smem:$0x3FAD] =	sst s10  }
0x35: {  	s10 =	sld [smem:$0x3FAC];
	_ =	sdelay $0x3  }
0x36: {  	p1 =	seq.s32 s10, $0x1;
	s10 =	sld [smem:$0x3FAD];
	_ =	sdelay $0x3  }
0x37: {  	[smem:$0x3FAD] =	sst s10  }
0x38: {  	s10 =	sld [smem:$0x3FAE]  }
0x39: {  	_ = 	snop;
	(pc) =	sbr.ind lr, $3  }
0x3a: {  	_ = 	snop  }
0x3b: {  	_ = 	snop  }
0x3c: {  	p2 =	seq.s32 s10, $0x1;
	s10 =	sld [smem:$0x3FAD]  }
0x3d: {  	_ =	shalt  }
0x3e: {  	_ =	shalt  }
0x3f: {  	_ =	shalt  }
0x40: {  	_ =	shalt  }
0x41: {  	_ =	shalt  }
0x42: {  	_ =	shalt  }
0x43: {  	_ =	shalt  }
0x44: {  	_ =	shalt  }
0x45: {  	_ =	shalt  }
0x46: {  	_ =	shalt  }
0x47: {  	_ =	shalt  }
0x48: {  	_ =	shalt  }
0x49: {  	_ =	shalt  }
0x4a: {  	_ =	shalt  }
0x4b: {  	_ =	shalt  }
0x4c: {  	_ =	shalt  }
0x4d: {  	_ =	shalt  }
0x4e: {  	_ =	shalt  }
0x4f: {  	_ =	shalt  }
0x50: {  	_ =	shalt  }
0x51: {  	_ =	shalt  }
0x52: {  	_ =	shalt  }
0x53: {  	_ =	shalt  }
0x54: {  	_ =	shalt  }
0x55: {  	_ =	shalt  }
0x56: {  	_ =	shalt  }
0x57: {  	_ =	shalt  }
0x58: {  	_ =	shalt  }
0x59: {  	_ =	shalt  }
0x5a: {  	_ =	shalt  }
0x5b: {  	_ =	shalt  }
0x5c: {  	_ =	shalt  }
0x5d: {  	_ =	shalt  }
0x5e: {  	_ =	shalt  }
0x5f: {  	_ =	shalt  }
0x60: {  	_ =	shalt  }
0x61: {  	_ =	shalt  }
0x62: {  	_ =	shalt  }
0x63: {  	_ =	shalt  }
0x64: {  	_ =	shalt  }
0x65: {  	_ =	shalt  }
0x66: {  	_ =	shalt  }
0x67: {  	_ =	shalt  }
0x68: {  	_ =	shalt  }
0x69: {  	_ =	shalt  }
0x6a: {  	_ =	shalt  }
0x6b: {  	_ =	shalt  }
0x6c: {  	_ =	shalt  }
0x6d: {  	_ =	shalt  }
0x6e: {  	_ =	shalt  }
0x6f: {  	_ =	shalt  }
0x70: {  	_ =	shalt  }
0x71: {  	_ =	shalt  }
0x72: {  	_ =	shalt  }
0x73: {  	_ =	shalt  }
0x74: {  	_ =	shalt  }
0x75: {  	_ =	shalt  }
0x76: {  	_ =	shalt  }
0x77: {  	_ =	shalt  }
0x78: {  	_ =	shalt  }
0x79: {  	_ =	shalt  }
0x7a: {  	_ =	shalt  }
0x7b: {  	_ =	shalt  }
0x7c: {  	_ =	shalt  }
0x7d: {  	_ =	shalt  }
0x7e: {  	_ =	shalt  }
0x7f: {  	_ =	shalt  }
0x80: {  	_ =	shalt  }
0x81: {  	_ =	shalt  }
0x82: {  	_ =	shalt  }
0x83: {  	_ =	shalt  }
0x84: {  	_ =	shalt  }
0x85: {  	_ =	shalt  }
0x86: {  	_ =	shalt  }
0x87: {  	_ =	shalt  }
.Lfunc_end0:
.L_simem_size_0:
called_computation.1_lowered:
.L_overlay_start_0:
0x88: {  	s2 =	sld [smem:$0x3FD9]  }
0x89: {  	s3 =	sld [smem:$0x3FFE];
	_ =	sdelay $0x1  }
0x8a: {  	s1 =	srdreg.scid  }
0x8b: {  	s0 =	sand.u32 $0x1, s1  }
0x8c: {  	s16 =	sshll.u32 s0, $0xA;
	s2 =	sadd.s32 s3, s2  }
0x8d: {  	s2 =	sadd.s32 s2, s16  }
0x8e: {  	[smem:$0x3FB9] =	sst s2  }
0x8f: {  	_ = 	snop  }
0x90: {  	(tm) =	ssettm $0x1  }
0x91: {  	s17 =	sld [smem:$0x3FFB];
	_ =	sdelay $0x3  }
0x92: {  	_ =	strace s17  }
0x93: {  	s2 =	sld [smem:$0x3FFC];
	_ =	sdelay $0x3  }
0x94: {  	_ =	strace s2  }
0x95: {  	s2 =	sld [smem:$0x3FFD];
	_ =	sdelay $0x3  }
0x96: {  	_ =	strace s2  }
0x97: {  	_ =	strace $0x8FFFFFFF  }
0x98: {  	s18 =	sld [smem:$0x3FDB];
	_ =	sdelay $0x1  }
0x99: {  	s19 =	simm.s32 $_scs_section_size  }
0x9a: {  	s4 =	simm.s32 $_size__tile_overlayer_lowered;
	s5 =	simm.s32 $_tile_overlayer_lowered  }
0x9b: {  	s22 =	simm.s32 $0x1BFF;
	s21 =	sshll.u32 s5, $0x1;
	s2 =	sadd.s32 s19, s18  }
0x9c: {  	s6 =	simm.s32 $0x0;
	s20 =	sshll.u32 s4, $0x1;
	s4 =	sadd.s32 s21, s2  }
0x9d: {  	[timem:s6], [sflag:s22] =	dma.local [hbm:s4], s20  }
0x9e: {  	_ =	swait.ge [sflag:s22], s20  }
0x9f: {  	s3 =	ssub.s32 $0x0, s20;
	[sflag:s22] =	ssyncset.done $0x0  }
0xa0: {  	[sflag:s22] =	ssyncadd.s32 s3;
	_ =	sdelay $0x1  }
0xa1: {  	s23 =	simm.s32 $0x1B8B  }
0xa2: {  	_ =	swait.ge [sflag:s23], $0x1  }
0xa3: {  	[sflag:s23] =	ssyncset.done $0x0  }
0xa4: {  	s25 =	simm.s32 $0x1B8E;
	s24 =	sld [smem:$0x3FFE];
	[sflag:s23] =	ssyncadd.s32 $0xFFFFFFFF  }
0xa5: {  	s26 =	simm.s32 $execute0_lowered;
	[smem:$0x3FD2] =	sst s25  }
0xa6: {  	s4 =	sshll.u32 s26, $0x1;
	_ =	strace $0x80000049;
	[dreg:$0x1] =	wrdreg $0xFFFFFFFF  }
0xa7: {  	s28 =	simm.s32 $_size_execute0_lowered;
	s2 =	sadd.s32 s2, s4;
	[dreg:$0x0] =	wrdreg $0x0  }
0xa8: {  	s4 =	sshll.u32 s28, $0x1;
	[dreg:$0x2] =	wrdreg s2  }
0xa9: {  	[dreg:$0x3] =	wrdreg s4  }
0xaa: {  	[dreg:$0x4] =	wrdreg $0xC0  }
0xab: {  	_ =	task [dreg:s6], $0x5FFFF  }
0xac: {  	[dreg:$0x1] =	wrdreg $0xFFFFFFFF  }
0xad: {  	[dreg:$0x0] =	wrdreg $0x60  }
0xae: {  	[dreg:$0x2] =	wrdreg s24  }
0xaf: {  	[dreg:$0x3] =	wrdreg $0x8E800  }
0xb0: {  	[dreg:$0x4] =	wrdreg $0x9  }
0xb1: {  	_ =	task.clear_ibuf [dreg:s6], $0x5FFFF;
	_ =	strace $0x90000049  }
0xb2: {  	s29 =	simm.s32 $0x9;
	_ =	strace $0x8000004B  }
0xb3: {  	_ =	swait.ge [sflag:s29], $0x1  }
0xb4: {  	[sflag:s29] =	ssyncadd.s32 $0xFFFFFFFF  }
0xb5: {  	_ =	strace $0x9000004B  }
0xb6: {  	_ =	sfence  }
0xb7: {  	s30 =	sld [smem:$0x0];
	_ =	sdelay $0x2  }
0xb8: {  	s31 =	sshll.u32 s1, $0xD;
	s1 =	sshrl.u32 s1, $0x2  }
0xb9: {  	s3 =	sand.u32 $0x4000, s31;
	s1 =	sadd.s32 s1, s30  }
0xba: {  	s0 =	sor.u32 s3, s0;
	s1 =	sshll.u32 s1, $0x11  }
0xbb: {  	s0 =	sor.u32 s1, s0  }
0xbc: {  	s0 =	sadd.s32 $0x8F2B, s0  }
0xbd: {  	[sflag:s0] =	ssyncadd.remote.s32 $0x1  }
0xbe: {  	_ =	sfence.sel $0xFFFF  }
0xbf: {  	[dreg:$0x0] =	wrdreg $0xFFFFFFFF;
	(pc) =	sbr.abs _section_cstart, $3  }
0xc0: {  	[dreg:$0x1] =	wrdreg $0xFFFFFFFF  }
0xc1: {  	_ =	task.clear_ibuf [dreg:s6], $0x2FFFF;
	_ =	strace $0x9FFFFFFF  }
0xc2: {  	(tm) =	ssettm $0x7FFFFFFF  }
0xc3: {  	_ =	shalt  }
tec
execute0_lowered:
.L_overlay_start_1:
0x0: {  	(tag) =	ssettag $0x1  }
0x1: {  	s5 =	rddreg [dreg:$0x0]  }
0x2: {  	s2 =	rddreg [dreg:$0x1]  }
0x3: {  	s1 =	srdreg.scid;
	s0 =	rddreg [dreg:$0x2]  }
0x4: {  	s3 =	simm.s32 $0x0;
	s14 =	simm.s32 $0x5;
	s15 =	simm.s32 $0x2800  }
0x5: {  	s16 =	simm.s32 $0x5000;
	s17 =	simm.s32 $0x7D;
	s18 =	simm.s32 $0x1  }
0x6: {  	s19 =	simm.s32 $0x6F40;
	s20 =	simm.s32 $0x2;
	s21 =	simm.s32 $0x3  }
0x7: {  	s22 =	simm.s32 $0x4;
	s23 =	simm.s32 $0x2780;
	s24 =	simm.s32 $0x4F00  }
0x8: {  	s26 =	simm.s32 $0x4F80;
	s6 =	sand.u32 $0x1, s1;
	s1 =	stileid.u32  }
0x9: {  	s28 =	simm.s32 $0x0;
	[smem:$0x7FF] =	sst s3;
	s7 =	smul.u32 $0x138800, s6  }
0xa: {  	s4 =	sshll.u32 s6, $0x4;
	s8 =	smul.u32 $0x13880, s1;
	_ =	strace $0x8000004A  }
0xb: {  	s6 =	ssub.s32 $0x2, s6;
	s10 =	smul.u32 $0x27100, s1;
	s4 =	sor.u32 s1, s4  }
0xc: {  	s30 =	sshrl.u32 s6, $0x1;
	s9 =	smul.u32 $0x500, s4;
	s4 =	sadd.s32 $0x2600, s5  }
0xd: {  	s7 =	sadd.s32 s8, s7;
	s11 =	ssub.s32 s6, s30;
	s8 =	sshrl.u32 s8, $0x1  }
0xe: {  	s31 =	sshrl.u32 s10, $0x2;
	s7 =	sshrl.u32 s7, $0x4;
	s25 =	sadd.s32 s8, s2  }
0xf: {  	s8 =	smax.u32 s11, $0x1;
	s9 =	sadd.s32 s9, s5;
	s7 =	sadd.s32 s7, s5  }
0x10: {  	s5 =	sadd.s32 $0x20800, s9;
	s6 =	sadd.s32 $0x16800, s9;
	s9 =	sadd.s32 s31, s2  }
0x11: {  	s25 =	sshrl.u32 s25, $0x3;
	s7 =	sadd.s32 $0x2A800, s7;
	s10 =	sadd.s32 $0x1F40, s9  }
0x12: {  	v0 =	vimm.bf16 $0.0e+00;
	s11 =	sadd.s32 $0x3E80, s9;
	s12 =	sadd.s32 $0x5DC0, s9;
	s13 =	sadd.s32 $0x7D00, s9  }
.LBB2_1:
0x13: {  	[tilespmem:s3], [sflag:$0x5] =	stream.linear.gather [hbm4b:s5+s3], $0x2800, $0x38;
	[tilespmem:$0x12AC0] =	vst v63  }
0x14: {  	_ =	swait.ge [sflag:s14], $0x2800  }
0x15: {  	[sflag:s14] =	ssyncset.done $0x0  }
0x16: {  	[sflag:s14] =	ssyncadd.s32 $0xFFFFD800  }
0x17: {  	[tilespmem:s15], [sflag:$0x5] =	stream.linear.gather [hbm4b:s6+s3], $0x2800, $0x38;
	[tilespmem:$0x12AC0] =	vst v63  }
0x18: {  	_ =	swait.ge [sflag:s14], $0x2800  }
0x19: {  	[sflag:s14] =	ssyncset.done $0x0  }
0x1a: {  	s30 =	simm.s32 $0x100;
	s29 =	simm.s32 $0x0;
	[sflag:s14] =	ssyncadd.s32 $0xFFFFD800  }
.LBB2_2:
0x1b: {  	p0 =	sne.s32 s30, $0x7C00;
	[tilespmem:s29+$0x5030] =	vst v0;
	s31 =	smov.u32 s30;
	s30 =	sadd.s32 $0x100, s30  }
.Ltmp0:
0x1c: {  	[tilespmem:s29+$0x5020] =	vst v0;
	(pc) =	sbr.rel @p0 .LBB2_2-.Ltmp0, $3  }
0x1d: {  	[tilespmem:s29+$0x5000] =	vst v0  }
0x1e: {  	[tilespmem:s29+$0x5010] =	vst v0;
	_ =	sdelay $0x1  }
0x1f: {  	s29 =	sshra.s32 s31, $0x2  }
0x20: {  	[tilespmem:s29+$0x5030] =	vst v0  }
0x21: {  	[tilespmem:s29+$0x5020] =	vst v0  }
0x22: {  	[tilespmem:s29+$0x5000] =	vst v0  }
0x23: {  	[tilespmem:s29+$0x5010] =	vst v0  }
0x24: {  	[spmem:s9] =	stream.linear.scatter [tilespmem:s16], [sflag:$0x5], $0x1F40, $0x38;
	[tilespmem:$0x12AC0] =	vst v63  }
0x25: {  	_ =	swait.ge [sflag:s14], $0x1F40  }
0x26: {  	[sflag:s14] =	ssyncset.done $0x0  }
0x27: {  	[sflag:s14] =	ssyncadd.s32 $0xFFFFE0C0  }
0x28: {  	[spmem:s10] =	stream.linear.scatter [tilespmem:s16], [sflag:$0x5], $0x1F40, $0x38;
	[tilespmem:$0x12AC0] =	vst v63  }
0x29: {  	_ =	swait.ge [sflag:s14], $0x1F40  }
0x2a: {  	[sflag:s14] =	ssyncset.done $0x0  }
0x2b: {  	[sflag:s14] =	ssyncadd.s32 $0xFFFFE0C0  }
0x2c: {  	[spmem:s11] =	stream.linear.scatter [tilespmem:s16], [sflag:$0x5], $0x1F40, $0x38;
	[tilespmem:$0x12AC0] =	vst v63  }
0x2d: {  	_ =	swait.ge [sflag:s14], $0x1F40  }
0x2e: {  	[sflag:s14] =	ssyncset.done $0x0  }
0x2f: {  	[sflag:s14] =	ssyncadd.s32 $0xFFFFE0C0  }
0x30: {  	[spmem:s12] =	stream.linear.scatter [tilespmem:s16], [sflag:$0x5], $0x1F40, $0x38;
	[tilespmem:$0x12AC0] =	vst v63  }
0x31: {  	_ =	swait.ge [sflag:s14], $0x1F40  }
0x32: {  	[sflag:s14] =	ssyncset.done $0x0  }
0x33: {  	[sflag:s14] =	ssyncadd.s32 $0xFFFFE0C0  }
0x34: {  	[spmem:s13] =	stream.linear.scatter [tilespmem:s16], [sflag:$0x5], $0x1F40, $0x38;
	[tilespmem:$0x12AC0] =	vst v63  }
0x35: {  	_ =	swait.ge [sflag:s14], $0x1F40  }
0x36: {  	[sflag:s14] =	ssyncset.done $0x0  }
0x37: {  	[sflag:s14] =	ssyncadd.s32 $0xFFFFE0C0  }
0x38: {  	s29 =	simm.s32 $0x0;
	[bflag:$0x0] =	sbarrier.arrive $0xFFFF  }
0x39: {  	[tilespmem:s16], [sflag:$0x1] =	stream.indirect.gather [hbm4b:s4+s17], $0x40, s29, s17, $0xb8;
	[tilespmem:$0x12AC0] =	vst v63  }
0x3a: {  	_ =	swait.ge [sflag:s18], $0x1F40  }
0x3b: {  	[sflag:s18] =	ssyncset.done $0x0  }
0x3c: {  	s29 =	simm.s32 $0x80;
	[sflag:s18] =	ssyncadd.s32 $0xFFFFE0C0  }
0x3d: {  	[tilespmem:s19], [sflag:$0x2] =	stream.indirect.gather [hbm4b:s4+s17], $0x40, s29, s17, $0xb8;
	[tilespmem:$0x12AC0] =	vst v63  }
0x3e: {  	s29 =	simm.s32 $0x2800  }
0x3f: {  	[spmem:s2] =	stream.indirect.scatter.add.bf16 [tilespmem:s16], [sflag:$0x3], $0x40, s29, s17, $0xb8;
	[tilespmem:$0x12AC0] =	vst v63  }
0x40: {  	_ =	swait.ge [sflag:s20], $0x1F40  }
0x41: {  	[sflag:s20] =	ssyncset.done $0x0  }
0x42: {  	[sflag:s20] =	ssyncadd.s32 $0xFFFFE0C0  }
0x43: {  	_ =	swait.ge [sflag:s21], $0x1F40  }
0x44: {  	[sflag:s21] =	ssyncset.done $0x0  }
0x45: {  	s29 =	simm.s32 $0x100;
	[sflag:s21] =	ssyncadd.s32 $0xFFFFE0C0  }
0x46: {  	[tilespmem:s16], [sflag:$0x1] =	stream.indirect.gather [hbm4b:s4+s17], $0x40, s29, s17, $0xb8;
	[tilespmem:$0x12AC0] =	vst v63  }
0x47: {  	s29 =	simm.s32 $0x2880  }
0x48: {  	[spmem:s2] =	stream.indirect.scatter.add.bf16 [tilespmem:s19], [sflag:$0x4], $0x40, s29, s17, $0xb8;
	[tilespmem:$0x12AC0] =	vst v63  }
0x49: {  	_ =	swait.ge [sflag:s22], $0x1F40  }
0x4a: {  	s29 =	simm.s32 $0x400;
	[sflag:s22] =	ssyncset.done $0x0  }
.LBB2_4:
0x4b: {  	p0 =	sne.s32 s29, $0x9800  }
0x4c: {  	[sflag:s22] =	ssyncadd.s32 $0xFFFFE0C0;
	s30 =	smov.u32 s29;
	s29 =	sadd.s32 $0x400, s29  }
0x4d: {  	_ = 	snop  }
0x4e: {  	_ =	swait.ge [sflag:s18], $0x1F40  }
0x4f: {  	s30 =	sshra.s32 s30, $0x2;
	[sflag:s18] =	ssyncset.done $0x0  }
0x50: {  	s31 =	sadd.s32 $0x80, s30;
	[sflag:s18] =	ssyncadd.s32 $0xFFFFE0C0  }
0x51: {  	[tilespmem:s19], [sflag:$0x2] =	stream.indirect.gather [hbm4b:s4+s17], $0x40, s31, s17, $0xb8;
	[tilespmem:$0x12AC0] =	vst v63  }
0x52: {  	s31 =	sadd.s32 $0x2800, s30  }
0x53: {  	[spmem:s2] =	stream.indirect.scatter.add.bf16 [tilespmem:s16], [sflag:$0x3], $0x40, s31, s17, $0xb8;
	[tilespmem:$0x12AC0] =	vst v63  }
0x54: {  	_ =	swait.ge [sflag:s20], $0x1F40  }
0x55: {  	[sflag:s20] =	ssyncset.done $0x0  }
0x56: {  	[sflag:s20] =	ssyncadd.s32 $0xFFFFE0C0  }
0x57: {  	_ =	swait.ge [sflag:s21], $0x1F40  }
0x58: {  	[sflag:s21] =	ssyncset.done $0x0  }
0x59: {  	s31 =	sadd.s32 $0x100, s30;
	[sflag:s21] =	ssyncadd.s32 $0xFFFFE0C0  }
0x5a: {  	[tilespmem:s16], [sflag:$0x1] =	stream.indirect.gather [hbm4b:s4+s17], $0x40, s31, s17, $0xb8;
	[tilespmem:$0x12AC0] =	vst v63  }
.Ltmp1:
0x5b: {  	_ = 	snop;
	(pc) =	sbr.rel @p0 .LBB2_4-.Ltmp1, $4  }
0x5c: {  	s30 =	sadd.s32 $0x2880, s30  }
0x5d: {  	[spmem:s2] =	stream.indirect.scatter.add.bf16 [tilespmem:s19], [sflag:$0x4], $0x40, s30, s17, $0xb8;
	[tilespmem:$0x12AC0] =	vst v63  }
0x5e: {  	_ =	swait.ge [sflag:s22], $0x1F40  }
0x5f: {  	[sflag:s22] =	ssyncset.done $0x0  }
0x60: {  	[sflag:s22] =	ssyncadd.s32 $0xFFFFE0C0  }
0x61: {  	_ =	swait.ge [sflag:s18], $0x1F40  }
0x62: {  	[sflag:s18] =	ssyncset.done $0x0  }
0x63: {  	[sflag:s18] =	ssyncadd.s32 $0xFFFFE0C0  }
0x64: {  	[tilespmem:s19], [sflag:$0x2] =	stream.indirect.gather [hbm4b:s4+s17], $0x40, s23, s17, $0xb8;
	[tilespmem:$0x12AC0] =	vst v63  }
0x65: {  	_ = 	snop  }
0x66: {  	[spmem:s2] =	stream.indirect.scatter.add.bf16 [tilespmem:s16], [sflag:$0x3], $0x40, s24, s17, $0xb8;
	[tilespmem:$0x12AC0] =	vst v63  }
0x67: {  	_ =	swait.ge [sflag:s20], $0x1F40  }
0x68: {  	[sflag:s20] =	ssyncset.done $0x0  }
0x69: {  	[sflag:s20] =	ssyncadd.s32 $0xFFFFE0C0  }
0x6a: {  	[spmem:s2] =	stream.indirect.scatter.add.bf16 [tilespmem:s19], [sflag:$0x4], $0x40, s26, s17, $0xb8;
	[tilespmem:$0x12AC0] =	vst v63  }
0x6b: {  	_ =	swait.ge [sflag:s22], $0x1F40  }
0x6c: {  	[sflag:s22] =	ssyncset.done $0x0  }
0x6d: {  	[sflag:s22] =	ssyncadd.s32 $0xFFFFE0C0  }
0x6e: {  	_ =	swait.ge [sflag:s21], $0x1F40  }
0x6f: {  	s28 =	sadd.s32 $0x1, s28;
	[sflag:s21] =	ssyncset.done $0x0  }
0x70: {  	s29 =	sshll.u32 s1, $0x6;
	p0 =	sne.s32 s28, s8;
	[sflag:s21] =	ssyncadd.s32 $0xFFFFE0C0  }
.Ltmp2:
0x71: {  	s29 =	sor.u32 $0x1C05, s29;
	[bflag:$0x0] =	sbarrier.arrive $0xFFFF;
	(pc) =	sbr.rel @p0 .LBB2_1-.Ltmp2, $4  }
0x72: {  	[hbm:s7], [sflag:s29] =	dma.local [spmem:s25], $0x1388  }
0x73: {  	_ =	swait.ge [sflag:s14], $0x1388  }
0x74: {  	[sflag:s14] =	ssyncset.done $0x0  }
0x75: {  	[sflag:s14] =	ssyncadd.s32 $0xFFFFEC78  }
0x76: {  	_ =	sfence.sel $0x180000  }
0x77: {  	[bflag:$0x0] =	sbarrier.arrive $0xFFFF  }
0x78: {  	p0 =	sne.s32 s1, $0x0;
	_ =	strace $0x9000004A  }
0x79: {  	s0 =	sadd.s32 @!p0 $0x100000, s0;
	[bflag:$0x2] =	sbarrier.arrive $0xFFFF  }
0x7a: {  	[sflag:s0] =	ssyncadd.tile.s32 @!p0 $0x1;
	_ =	shalt  }
.Lfunc_end2:
_tile_overlayer_lowered:
.L_overlay_start_2:
0x7b: {  	(tag) =	ssettag $0x2  }
0x7c: {  	s0 =	rddreg [dreg:$0x0];
	s2 =	stileid.u32  }
0x7d: {  	s1 =	rddreg [dreg:$0x1];
	p0 =	sne.s32 s2, $0x0  }
0x7e: {  	s3 =	rddreg [dreg:$0x2];
	[bflag:$0x3] =	sbarrier.arrive $0xFFFF;
	s2 =	simm.s32 @!p0 $0x1C05  }
0x7f: {  	[timem:s3], [sflag:s2] =	dma.local @!p0 [hbm:s0], s1  }
0x80: {  	s0 =	simm.s32 @!p0 $0x5  }
0x81: {  	_ =	swait.ge @!p0 [sflag:s0], s1  }
0x82: {  	s1 =	ssub.s32 @!p0 $0x0, s1;
	[sflag:s0] =	ssyncset.done @!p0 $0x0  }
0x83: {  	[sflag:s0] =	ssyncadd.s32 @!p0 s1  }
0x84: {  	[bflag:$0x3] =	sbarrier.arrive $0xFFFF  }
0x85: {  	_ =	shalt  }

// kernel: kernel.14.cloned.1.call-start
scs
__scs_entry_jumppad:
0x0: {  	(pc) =	sbr.rel $0x88, $3  }
0x1: {  	(tag) =	ssettag $0x0;
	lr =	simm.s32 $0x1  }
0x2: {  	[smem:$0x3F92] =	sst lr;
	_ =	strace $0xD0000000  }
0x3: {  	_ = 	snop  }
0x4: {  	_ = 	snop  }
0x5: {  	_ = 	snop  }
0x6: {  	_ = 	snop  }
0x7: {  	_ = 	snop  }
__scs_overlays_trampoline_lowered:
0x8: {  	[smem:$0x3FA1] =	sst s0  }
0x9: {  	[smem:$0x3FA2] =	sst s1  }
0xa: {  	[smem:$0x3FA3] =	sst s2  }
0xb: {  	[smem:$0x3FA4] =	sst s3  }
0xc: {  	[smem:$0x3FA5] =	sst s4  }
0xd: {  	[smem:$0x3FA6] =	sst s5  }
0xe: {  	[smem:$0x3FA7] =	sst s6  }
0xf: {  	[smem:$0x3FA8] =	sst s7  }
0x10: {  	[smem:$0x3FA9] =	sst s8  }
0x11: {  	[smem:$0x3FAA] =	sst s9;
	s0 =	simm.s32 @!p0 $0x0  }
0x12: {  	s1 =	sld [smem:$0x3F90];
	s0 =	simm.s32 @p0 $0x1  }
0x13: {  	[smem:$0x3FAB] =	sst s0;
	s0 =	simm.s32 @!p1 $0x0  }
0x14: {  	s2 =	sld [smem:$0x3F8F];
	s0 =	simm.s32 @p1 $0x1  }
0x15: {  	[smem:$0x3FAC] =	sst s0;
	s0 =	simm.s32 @!p2 $0x0  }
0x16: {  	s3 =	sld [smem:$0x3FDB];
	s0 =	simm.s32 @p2 $0x1  }
0x17: {  	s4 =	simm.s32 $0x1BF5;
	[smem:$0x3FAE] =	sst s0  }
0x18: {  	s0 =	sld [smem:$0x3F91];
	_ =	swait.ge [sflag:s4], $0x0  }
0x19: {  	s7 =	sld [smem:$0x3F92]  }
0x1a: {  	s8 =	sadd.s32 $0xFFFFE003, lr  }
0x1b: {  	s9 =	sadd.s32 $0xFFFFFEF7, lr;
	s5 =	simm.s32 $0xFFFFFFFF;
	p2 =	slt.u32 s8, $0xFFFFF086  }
0x1c: {  	p1 =	slt.u32 s9, $0xF7A;
	s5 =	simm.s32 @!p2 $0x0  }
0x1d: {  	s5 =	simm.s32 @p1 $0x1;
	p0 =	seq.s32 s7, s2  }
0x1e: {  	s7 =	smul.u32 @!p0 $0xF7A, s2;
	p2 =	seq.s32 @!p0 s5, $0x0  }
0x1f: {  	s9 =	smul.u32 $0xF7A, s1;
	s8 =	simm.s32 @!p0 $0x1BF5;
	p2 =	por !p2, p0  }
0x20: {  	[sflag:s8] =	ssyncset.s32 @!p0 $0xFFFFF086;
	s6 =	sadd.s32 @!p0 s3, s7;
	s7 =	simm.s32 @!p0 $0x108  }
0x21: {  	s3 =	sadd.s32 s3, s9;
	s6 =	sadd.s32 @!p0 $0x88, s6;
	s7 =	simm.s32 @p2 $0x1082  }
0x22: {  	[simem:s7], [sflag:s8] =	dma.local @!p0 [hbm:s6], $0xF7A  }
0x23: {  	s9 =	sor.u32 $0xD0000000, s2;
	s6 =	simm.s32 $0x108;
	_ =	swait.ge @!p0 [sflag:s8], $0x0  }
0x24: {  	s3 =	sadd.s32 $0x88, s3;
	s6 =	simm.s32 @!p1 $0x1082;
	[sflag:s4] =	ssyncset.s32 $0xFFFFF086  }
0x25: {  	[simem:s6], [sflag:s4] =	dma.local [hbm:s3], $0xF7A  }
0x26: {  	[smem:$0x3F92] =	sst s1;
	(tag) =	ssettag s2;
	_ =	strace s9  }
0x27: {  	s1 =	sld [smem:$0x3FA2]  }
0x28: {  	s2 =	sld [smem:$0x3FA3]  }
0x29: {  	s4 =	sld [smem:$0x3FA5]  }
0x2a: {  	p0 =	seq.s32 s5, $0x0;
	s5 =	sld [smem:$0x3FA6]  }
0x2b: {  	s6 =	sld [smem:$0x3FA7]  }
0x2c: {  	s7 =	sld [smem:$0x3FA8]  }
0x2d: {  	s3 =	simm.s32 $0x108;
	s8 =	sld [smem:$0x3FA9]  }
0x2e: {  	s3 =	simm.s32 @!p0 $0x1082;
	s9 =	sld [smem:$0x3FAA]  }
0x2f: {  	lr =	sadd.s32 s0, s3;
	s0 =	sld [smem:$0x3FA1]  }
0x30: {  	s3 =	sld [smem:$0x3FA4]  }
0x31: {  	[smem:$0x3FAD] =	sst s10  }
0x32: {  	s10 =	sld [smem:$0x3FAB];
	_ =	sdelay $0x3  }
0x33: {  	p0 =	seq.s32 s10, $0x1;
	s10 =	sld [smem:$0x3FAD];
	_ =	sdelay $0x3  }
0x34: {  	[smem:$0x3FAD] =	sst s10  }
0x35: {  	s10 =	sld [smem:$0x3FAC];
	_ =	sdelay $0x3  }
0x36: {  	p1 =	seq.s32 s10, $0x1;
	s10 =	sld [smem:$0x3FAD];
	_ =	sdelay $0x3  }
0x37: {  	[smem:$0x3FAD] =	sst s10  }
0x38: {  	s10 =	sld [smem:$0x3FAE]  }
0x39: {  	_ = 	snop;
	(pc) =	sbr.ind lr, $3  }
0x3a: {  	_ = 	snop  }
0x3b: {  	_ = 	snop  }
0x3c: {  	p2 =	seq.s32 s10, $0x1;
	s10 =	sld [smem:$0x3FAD]  }
0x3d: {  	_ =	shalt  }
0x3e: {  	_ =	shalt  }
0x3f: {  	_ =	shalt  }
0x40: {  	_ =	shalt  }
0x41: {  	_ =	shalt  }
0x42: {  	_ =	shalt  }
0x43: {  	_ =	shalt  }
0x44: {  	_ =	shalt  }
0x45: {  	_ =	shalt  }
0x46: {  	_ =	shalt  }
0x47: {  	_ =	shalt  }
0x48: {  	_ =	shalt  }
0x49: {  	_ =	shalt  }
0x4a: {  	_ =	shalt  }
0x4b: {  	_ =	shalt  }
0x4c: {  	_ =	shalt  }
0x4d: {  	_ =	shalt  }
0x4e: {  	_ =	shalt  }
0x4f: {  	_ =	shalt  }
0x50: {  	_ =	shalt  }
0x51: {  	_ =	shalt  }
0x52: {  	_ =	shalt  }
0x53: {  	_ =	shalt  }
0x54: {  	_ =	shalt  }
0x55: {  	_ =	shalt  }
0x56: {  	_ =	shalt  }
0x57: {  	_ =	shalt  }
0x58: {  	_ =	shalt  }
0x59: {  	_ =	shalt  }
0x5a: {  	_ =	shalt  }
0x5b: {  	_ =	shalt  }
0x5c: {  	_ =	shalt  }
0x5d: {  	_ =	shalt  }
0x5e: {  	_ =	shalt  }
0x5f: {  	_ =	shalt  }
0x60: {  	_ =	shalt  }
0x61: {  	_ =	shalt  }
0x62: {  	_ =	shalt  }
0x63: {  	_ =	shalt  }
0x64: {  	_ =	shalt  }
0x65: {  	_ =	shalt  }
0x66: {  	_ =	shalt  }
0x67: {  	_ =	shalt  }
0x68: {  	_ =	shalt  }
0x69: {  	_ =	shalt  }
0x6a: {  	_ =	shalt  }
0x6b: {  	_ =	shalt  }
0x6c: {  	_ =	shalt  }
0x6d: {  	_ =	shalt  }
0x6e: {  	_ =	shalt  }
0x6f: {  	_ =	shalt  }
0x70: {  	_ =	shalt  }
0x71: {  	_ =	shalt  }
0x72: {  	_ =	shalt  }
0x73: {  	_ =	shalt  }
0x74: {  	_ =	shalt  }
0x75: {  	_ =	shalt  }
0x76: {  	_ =	shalt  }
0x77: {  	_ =	shalt  }
0x78: {  	_ =	shalt  }
0x79: {  	_ =	shalt  }
0x7a: {  	_ =	shalt  }
0x7b: {  	_ =	shalt  }
0x7c: {  	_ =	shalt  }
0x7d: {  	_ =	shalt  }
0x7e: {  	_ =	shalt  }
0x7f: {  	_ =	shalt  }
0x80: {  	_ =	shalt  }
0x81: {  	_ =	shalt  }
0x82: {  	_ =	shalt  }
0x83: {  	_ =	shalt  }
0x84: {  	_ =	shalt  }
0x85: {  	_ =	shalt  }
0x86: {  	_ =	shalt  }
0x87: {  	_ =	shalt  }
.Lfunc_end0:
.L_simem_size_0:
called_computation.2_lowered:
.L_overlay_start_0:
0x88: {  	s2 =	sld [smem:$0x3FD9]  }
0x89: {  	s3 =	sld [smem:$0x3FFE];
	_ =	sdelay $0x1  }
0x8a: {  	s1 =	srdreg.scid  }
0x8b: {  	s0 =	sand.u32 $0x1, s1  }
0x8c: {  	s16 =	sshll.u32 s0, $0xA;
	s2 =	sadd.s32 s3, s2  }
0x8d: {  	s2 =	sadd.s32 s2, s16  }
0x8e: {  	[smem:$0x3FB9] =	sst s2  }
0x8f: {  	_ = 	snop  }
0x90: {  	(tm) =	ssettm $0x1  }
0x91: {  	s17 =	sld [smem:$0x3FFB];
	_ =	sdelay $0x3  }
0x92: {  	_ =	strace s17  }
0x93: {  	s2 =	sld [smem:$0x3FFC];
	_ =	sdelay $0x3  }
0x94: {  	_ =	strace s2  }
0x95: {  	s2 =	sld [smem:$0x3FFD];
	_ =	sdelay $0x3  }
0x96: {  	_ =	strace s2  }
0x97: {  	_ =	strace $0x8FFFFFFF  }
0x98: {  	s18 =	sld [smem:$0x3FDB];
	_ =	sdelay $0x1  }
0x99: {  	s19 =	simm.s32 $_scs_section_size  }
0x9a: {  	s4 =	simm.s32 $_size__tile_overlayer_lowered;
	s5 =	simm.s32 $_tile_overlayer_lowered  }
0x9b: {  	s22 =	simm.s32 $0x1BFF;
	s21 =	sshll.u32 s5, $0x1;
	s2 =	sadd.s32 s19, s18  }
0x9c: {  	s6 =	simm.s32 $0x0;
	s20 =	sshll.u32 s4, $0x1;
	s4 =	sadd.s32 s21, s2  }
0x9d: {  	[timem:s6], [sflag:s22] =	dma.local [hbm:s4], s20  }
0x9e: {  	_ =	swait.ge [sflag:s22], s20  }
0x9f: {  	s3 =	ssub.s32 $0x0, s20;
	[sflag:s22] =	ssyncset.done $0x0  }
0xa0: {  	[sflag:s22] =	ssyncadd.s32 s3;
	_ =	sdelay $0x1  }
0xa1: {  	s23 =	simm.s32 $0x1B8B  }
0xa2: {  	_ =	swait.ge [sflag:s23], $0x1  }
0xa3: {  	[sflag:s23] =	ssyncset.done $0x0  }
0xa4: {  	s25 =	simm.s32 $0x1B8E;
	s24 =	sld [smem:$0x3FFE];
	[sflag:s23] =	ssyncadd.s32 $0xFFFFFFFF  }
0xa5: {  	s26 =	simm.s32 $execute0_lowered;
	[smem:$0x3FD2] =	sst s25  }
0xa6: {  	s4 =	sshll.u32 s26, $0x1;
	_ =	strace $0x8000004C;
	[dreg:$0x1] =	wrdreg $0xFFFFFFFF  }
0xa7: {  	s28 =	simm.s32 $_size_execute0_lowered;
	s2 =	sadd.s32 s2, s4;
	[dreg:$0x0] =	wrdreg $0x0  }
0xa8: {  	s4 =	sshll.u32 s28, $0x1;
	[dreg:$0x2] =	wrdreg s2  }
0xa9: {  	[dreg:$0x3] =	wrdreg s4  }
0xaa: {  	[dreg:$0x4] =	wrdreg $0xC0  }
0xab: {  	_ =	task [dreg:s6], $0x5FFFF  }
0xac: {  	[dreg:$0x1] =	wrdreg $0xFFFFFFFF  }
0xad: {  	[dreg:$0x0] =	wrdreg $0x60  }
0xae: {  	[dreg:$0x2] =	wrdreg s24  }
0xaf: {  	[dreg:$0x3] =	wrdreg $0x8E800  }
0xb0: {  	[dreg:$0x4] =	wrdreg $0x9  }
0xb1: {  	_ =	task.clear_ibuf [dreg:s6], $0x5FFFF;
	_ =	strace $0x9000004C  }
0xb2: {  	s29 =	simm.s32 $0x9;
	_ =	strace $0x8000004E  }
0xb3: {  	_ =	swait.ge [sflag:s29], $0x1  }
0xb4: {  	[sflag:s29] =	ssyncadd.s32 $0xFFFFFFFF  }
0xb5: {  	_ =	strace $0x9000004E  }
0xb6: {  	_ =	sfence  }
0xb7: {  	s30 =	sld [smem:$0x0];
	_ =	sdelay $0x2  }
0xb8: {  	s31 =	sshll.u32 s1, $0xD;
	s1 =	sshrl.u32 s1, $0x2  }
0xb9: {  	s3 =	sand.u32 $0x4000, s31;
	s1 =	sadd.s32 s1, s30  }
0xba: {  	s0 =	sor.u32 s3, s0;
	s1 =	sshll.u32 s1, $0x11  }
0xbb: {  	s0 =	sor.u32 s1, s0  }
0xbc: {  	s0 =	sadd.s32 $0x8F2B, s0  }
0xbd: {  	[sflag:s0] =	ssyncadd.remote.s32 $0x1  }
0xbe: {  	_ =	sfence.sel $0xFFFF  }
0xbf: {  	[dreg:$0x0] =	wrdreg $0xFFFFFFFF;
	(pc) =	sbr.abs _section_cstart, $3  }
0xc0: {  	[dreg:$0x1] =	wrdreg $0xFFFFFFFF  }
0xc1: {  	_ =	task.clear_ibuf [dreg:s6], $0x2FFFF;
	_ =	strace $0x9FFFFFFF  }
0xc2: {  	(tm) =	ssettm $0x7FFFFFFF  }
0xc3: {  	_ =	shalt  }
tec
execute0_lowered:
.L_overlay_start_1:
0x0: {  	(tag) =	ssettag $0x1  }
0x1: {  	s5 =	rddreg [dreg:$0x0]  }
0x2: {  	s2 =	rddreg [dreg:$0x1]  }
0x3: {  	s1 =	srdreg.scid;
	s0 =	rddreg [dreg:$0x2]  }
0x4: {  	s3 =	simm.s32 $0x0;
	s14 =	simm.s32 $0x5;
	s15 =	simm.s32 $0x2800  }
0x5: {  	s16 =	simm.s32 $0x5000;
	s17 =	simm.s32 $0x7D;
	s18 =	simm.s32 $0x1  }
0x6: {  	s19 =	simm.s32 $0x6F40;
	s20 =	simm.s32 $0x2;
	s21 =	simm.s32 $0x3  }
0x7: {  	s22 =	simm.s32 $0x4;
	s23 =	simm.s32 $0x2780;
	s24 =	simm.s32 $0x4F00  }
0x8: {  	s26 =	simm.s32 $0x4F80;
	s6 =	sand.u32 $0x1, s1;
	s1 =	stileid.u32  }
0x9: {  	s28 =	simm.s32 $0x0;
	[smem:$0x7FF] =	sst s3;
	s7 =	smul.u32 $0x138800, s6  }
0xa: {  	s4 =	sshll.u32 s6, $0x4;
	s8 =	smul.u32 $0x13880, s1;
	_ =	strace $0x8000004D  }
0xb: {  	s6 =	ssub.s32 $0x2, s6;
	s10 =	smul.u32 $0x27100, s1;
	s4 =	sor.u32 s1, s4  }
0xc: {  	s30 =	sshrl.u32 s6, $0x1;
	s9 =	smul.u32 $0x500, s4;
	s4 =	sadd.s32 $0x2600, s5  }
0xd: {  	s7 =	sadd.s32 s8, s7;
	s11 =	ssub.s32 s6, s30;
	s8 =	sshrl.u32 s8, $0x1  }
0xe: {  	s31 =	sshrl.u32 s10, $0x2;
	s7 =	sshrl.u32 s7, $0x4;
	s25 =	sadd.s32 s8, s2  }
0xf: {  	s8 =	smax.u32 s11, $0x1;
	s9 =	sadd.s32 s9, s5;
	s7 =	sadd.s32 s7, s5  }
0x10: {  	s5 =	sadd.s32 $0x20800, s9;
	s6 =	sadd.s32 $0x16800, s9;
	s9 =	sadd.s32 s31, s2  }
0x11: {  	s25 =	sshrl.u32 s25, $0x3;
	s7 =	sadd.s32 $0x2A800, s7;
	s10 =	sadd.s32 $0x1F40, s9  }
0x12: {  	v0 =	vimm.bf16 $0.0e+00;
	s11 =	sadd.s32 $0x3E80, s9;
	s12 =	sadd.s32 $0x5DC0, s9;
	s13 =	sadd.s32 $0x7D00, s9  }
.LBB2_1:
0x13: {  	[tilespmem:s3], [sflag:$0x5] =	stream.linear.gather [hbm4b:s5+s3], $0x2800, $0x38;
	[tilespmem:$0x12AC0] =	vst v63  }
0x14: {  	_ =	swait.ge [sflag:s14], $0x2800  }
0x15: {  	[sflag:s14] =	ssyncset.done $0x0  }
0x16: {  	[sflag:s14] =	ssyncadd.s32 $0xFFFFD800  }
0x17: {  	[tilespmem:s15], [sflag:$0x5] =	stream.linear.gather [hbm4b:s6+s3], $0x2800, $0x38;
	[tilespmem:$0x12AC0] =	vst v63  }
0x18: {  	_ =	swait.ge [sflag:s14], $0x2800  }
0x19: {  	[sflag:s14] =	ssyncset.done $0x0  }
0x1a: {  	s30 =	simm.s32 $0x100;
	s29 =	simm.s32 $0x0;
	[sflag:s14] =	ssyncadd.s32 $0xFFFFD800  }
.LBB2_2:
0x1b: {  	p0 =	sne.s32 s30, $0x7C00;
	[tilespmem:s29+$0x5030] =	vst v0;
	s31 =	smov.u32 s30;
	s30 =	sadd.s32 $0x100, s30  }
.Ltmp0:
0x1c: {  	[tilespmem:s29+$0x5020] =	vst v0;
	(pc) =	sbr.rel @p0 .LBB2_2-.Ltmp0, $3  }
0x1d: {  	[tilespmem:s29+$0x5000] =	vst v0  }
0x1e: {  	[tilespmem:s29+$0x5010] =	vst v0;
	_ =	sdelay $0x1  }
0x1f: {  	s29 =	sshra.s32 s31, $0x2  }
0x20: {  	[tilespmem:s29+$0x5030] =	vst v0  }
0x21: {  	[tilespmem:s29+$0x5020] =	vst v0  }
0x22: {  	[tilespmem:s29+$0x5000] =	vst v0  }
0x23: {  	[tilespmem:s29+$0x5010] =	vst v0  }
0x24: {  	[spmem:s9] =	stream.linear.scatter [tilespmem:s16], [sflag:$0x5], $0x1F40, $0x38;
	[tilespmem:$0x12AC0] =	vst v63  }
0x25: {  	_ =	swait.ge [sflag:s14], $0x1F40  }
0x26: {  	[sflag:s14] =	ssyncset.done $0x0  }
0x27: {  	[sflag:s14] =	ssyncadd.s32 $0xFFFFE0C0  }
0x28: {  	[spmem:s10] =	stream.linear.scatter [tilespmem:s16], [sflag:$0x5], $0x1F40, $0x38;
	[tilespmem:$0x12AC0] =	vst v63  }
0x29: {  	_ =	swait.ge [sflag:s14], $0x1F40  }
0x2a: {  	[sflag:s14] =	ssyncset.done $0x0  }
0x2b: {  	[sflag:s14] =	ssyncadd.s32 $0xFFFFE0C0  }
0x2c: {  	[spmem:s11] =	stream.linear.scatter [tilespmem:s16], [sflag:$0x5], $0x1F40, $0x38;
	[tilespmem:$0x12AC0] =	vst v63  }
0x2d: {  	_ =	swait.ge [sflag:s14], $0x1F40  }
0x2e: {  	[sflag:s14] =	ssyncset.done $0x0  }
0x2f: {  	[sflag:s14] =	ssyncadd.s32 $0xFFFFE0C0  }
0x30: {  	[spmem:s12] =	stream.linear.scatter [tilespmem:s16], [sflag:$0x5], $0x1F40, $0x38;
	[tilespmem:$0x12AC0] =	vst v63  }
0x31: {  	_ =	swait.ge [sflag:s14], $0x1F40  }
0x32: {  	[sflag:s14] =	ssyncset.done $0x0  }
0x33: {  	[sflag:s14] =	ssyncadd.s32 $0xFFFFE0C0  }
0x34: {  	[spmem:s13] =	stream.linear.scatter [tilespmem:s16], [sflag:$0x5], $0x1F40, $0x38;
	[tilespmem:$0x12AC0] =	vst v63  }
0x35: {  	_ =	swait.ge [sflag:s14], $0x1F40  }
0x36: {  	[sflag:s14] =	ssyncset.done $0x0  }
0x37: {  	[sflag:s14] =	ssyncadd.s32 $0xFFFFE0C0  }
0x38: {  	s29 =	simm.s32 $0x0;
	[bflag:$0x0] =	sbarrier.arrive $0xFFFF  }
0x39: {  	[tilespmem:s16], [sflag:$0x1] =	stream.indirect.gather [hbm4b:s4+s17], $0x40, s29, s17, $0xb8;
	[tilespmem:$0x12AC0] =	vst v63  }
0x3a: {  	_ =	swait.ge [sflag:s18], $0x1F40  }
0x3b: {  	[sflag:s18] =	ssyncset.done $0x0  }
0x3c: {  	s29 =	simm.s32 $0x80;
	[sflag:s18] =	ssyncadd.s32 $0xFFFFE0C0  }
0x3d: {  	[tilespmem:s19], [sflag:$0x2] =	stream.indirect.gather [hbm4b:s4+s17], $0x40, s29, s17, $0xb8;
	[tilespmem:$0x12AC0] =	vst v63  }
0x3e: {  	s29 =	simm.s32 $0x2800  }
0x3f: {  	[spmem:s2] =	stream.indirect.scatter.add.bf16 [tilespmem:s16], [sflag:$0x3], $0x40, s29, s17, $0xb8;
	[tilespmem:$0x12AC0] =	vst v63  }
0x40: {  	_ =	swait.ge [sflag:s20], $0x1F40  }
0x41: {  	[sflag:s20] =	ssyncset.done $0x0  }
0x42: {  	[sflag:s20] =	ssyncadd.s32 $0xFFFFE0C0  }
0x43: {  	_ =	swait.ge [sflag:s21], $0x1F40  }
0x44: {  	[sflag:s21] =	ssyncset.done $0x0  }
0x45: {  	s29 =	simm.s32 $0x100;
	[sflag:s21] =	ssyncadd.s32 $0xFFFFE0C0  }
0x46: {  	[tilespmem:s16], [sflag:$0x1] =	stream.indirect.gather [hbm4b:s4+s17], $0x40, s29, s17, $0xb8;
	[tilespmem:$0x12AC0] =	vst v63  }
0x47: {  	s29 =	simm.s32 $0x2880  }
0x48: {  	[spmem:s2] =	stream.indirect.scatter.add.bf16 [tilespmem:s19], [sflag:$0x4], $0x40, s29, s17, $0xb8;
	[tilespmem:$0x12AC0] =	vst v63  }
0x49: {  	_ =	swait.ge [sflag:s22], $0x1F40  }
0x4a: {  	s29 =	simm.s32 $0x400;
	[sflag:s22] =	ssyncset.done $0x0  }
.LBB2_4:
0x4b: {  	p0 =	sne.s32 s29, $0x9800  }
0x4c: {  	[sflag:s22] =	ssyncadd.s32 $0xFFFFE0C0;
	s30 =	smov.u32 s29;
	s29 =	sadd.s32 $0x400, s29  }
0x4d: {  	_ = 	snop  }
0x4e: {  	_ =	swait.ge [sflag:s18], $0x1F40  }
0x4f: {  	s30 =	sshra.s32 s30, $0x2;
	[sflag:s18] =	ssyncset.done $0x0  }
0x50: {  	s31 =	sadd.s32 $0x80, s30;
	[sflag:s18] =	ssyncadd.s32 $0xFFFFE0C0  }
0x51: {  	[tilespmem:s19], [sflag:$0x2] =	stream.indirect.gather [hbm4b:s4+s17], $0x40, s31, s17, $0xb8;
	[tilespmem:$0x12AC0] =	vst v63  }
0x52: {  	s31 =	sadd.s32 $0x2800, s30  }
0x53: {  	[spmem:s2] =	stream.indirect.scatter.add.bf16 [tilespmem:s16], [sflag:$0x3], $0x40, s31, s17, $0xb8;
	[tilespmem:$0x12AC0] =	vst v63  }
0x54: {  	_ =	swait.ge [sflag:s20], $0x1F40  }
0x55: {  	[sflag:s20] =	ssyncset.done $0x0  }
0x56: {  	[sflag:s20] =	ssyncadd.s32 $0xFFFFE0C0  }
0x57: {  	_ =	swait.ge [sflag:s21], $0x1F40  }
0x58: {  	[sflag:s21] =	ssyncset.done $0x0  }
0x59: {  	s31 =	sadd.s32 $0x100, s30;
	[sflag:s21] =	ssyncadd.s32 $0xFFFFE0C0  }
0x5a: {  	[tilespmem:s16], [sflag:$0x1] =	stream.indirect.gather [hbm4b:s4+s17], $0x40, s31, s17, $0xb8;
	[tilespmem:$0x12AC0] =	vst v63  }
.Ltmp1:
0x5b: {  	_ = 	snop;
	(pc) =	sbr.rel @p0 .LBB2_4-.Ltmp1, $4  }
0x5c: {  	s30 =	sadd.s32 $0x2880, s30  }
0x5d: {  	[spmem:s2] =	stream.indirect.scatter.add.bf16 [tilespmem:s19], [sflag:$0x4], $0x40, s30, s17, $0xb8;
	[tilespmem:$0x12AC0] =	vst v63  }
0x5e: {  	_ =	swait.ge [sflag:s22], $0x1F40  }
0x5f: {  	[sflag:s22] =	ssyncset.done $0x0  }
0x60: {  	[sflag:s22] =	ssyncadd.s32 $0xFFFFE0C0  }
0x61: {  	_ =	swait.ge [sflag:s18], $0x1F40  }
0x62: {  	[sflag:s18] =	ssyncset.done $0x0  }
0x63: {  	[sflag:s18] =	ssyncadd.s32 $0xFFFFE0C0  }
0x64: {  	[tilespmem:s19], [sflag:$0x2] =	stream.indirect.gather [hbm4b:s4+s17], $0x40, s23, s17, $0xb8;
	[tilespmem:$0x12AC0] =	vst v63  }
0x65: {  	_ = 	snop  }
0x66: {  	[spmem:s2] =	stream.indirect.scatter.add.bf16 [tilespmem:s16], [sflag:$0x3], $0x40, s24, s17, $0xb8;
	[tilespmem:$0x12AC0] =	vst v63  }
0x67: {  	_ =	swait.ge [sflag:s20], $0x1F40  }
0x68: {  	[sflag:s20] =	ssyncset.done $0x0  }
0x69: {  	[sflag:s20] =	ssyncadd.s32 $0xFFFFE0C0  }
0x6a: {  	[spmem:s2] =	stream.indirect.scatter.add.bf16 [tilespmem:s19], [sflag:$0x4], $0x40, s26, s17, $0xb8;
	[tilespmem:$0x12AC0] =	vst v63  }
0x6b: {  	_ =	swait.ge [sflag:s22], $0x1F40  }
0x6c: {  	[sflag:s22] =	ssyncset.done $0x0  }
0x6d: {  	[sflag:s22] =	ssyncadd.s32 $0xFFFFE0C0  }
0x6e: {  	_ =	swait.ge [sflag:s21], $0x1F40  }
0x6f: {  	s28 =	sadd.s32 $0x1, s28;
	[sflag:s21] =	ssyncset.done $0x0  }
0x70: {  	s29 =	sshll.u32 s1, $0x6;
	p0 =	sne.s32 s28, s8;
	[sflag:s21] =	ssyncadd.s32 $0xFFFFE0C0  }
.Ltmp2:
0x71: {  	s29 =	sor.u32 $0x1C05, s29;
	[bflag:$0x0] =	sbarrier.arrive $0xFFFF;
	(pc) =	sbr.rel @p0 .LBB2_1-.Ltmp2, $4  }
0x72: {  	[hbm:s7], [sflag:s29] =	dma.local [spmem:s25], $0x1388  }
0x73: {  	_ =	swait.ge [sflag:s14], $0x1388  }
0x74: {  	[sflag:s14] =	ssyncset.done $0x0  }
0x75: {  	[sflag:s14] =	ssyncadd.s32 $0xFFFFEC78  }
0x76: {  	_ =	sfence.sel $0x180000  }
0x77: {  	[bflag:$0x0] =	sbarrier.arrive $0xFFFF  }
0x78: {  	p0 =	sne.s32 s1, $0x0;
	_ =	strace $0x9000004D  }
0x79: {  	s0 =	sadd.s32 @!p0 $0x100000, s0;
	[bflag:$0x2] =	sbarrier.arrive $0xFFFF  }
0x7a: {  	[sflag:s0] =	ssyncadd.tile.s32 @!p0 $0x1;
	_ =	shalt  }
.Lfunc_end2:
_tile_overlayer_lowered:
.L_overlay_start_2:
0x7b: {  	(tag) =	ssettag $0x2  }
0x7c: {  	s0 =	rddreg [dreg:$0x0];
	s2 =	stileid.u32  }
0x7d: {  	s1 =	rddreg [dreg:$0x1];
	p0 =	sne.s32 s2, $0x0  }
0x7e: {  	s3 =	rddreg [dreg:$0x2];
	[bflag:$0x3] =	sbarrier.arrive $0xFFFF;
	s2 =	simm.s32 @!p0 $0x1C05  }
0x7f: {  	[timem:s3], [sflag:s2] =	dma.local @!p0 [hbm:s0], s1  }
0x80: {  	s0 =	simm.s32 @!p0 $0x5  }
0x81: {  	_ =	swait.ge @!p0 [sflag:s0], s1  }
0x82: {  	s1 =	ssub.s32 @!p0 $0x0, s1;
	[sflag:s0] =	ssyncset.done @!p0 $0x0  }
0x83: {  	[sflag:s0] =	ssyncadd.s32 @!p0 s1  }
0x84: {  	[bflag:$0x3] =	sbarrier.arrive $0xFFFF  }
0x85: {  	_ =	shalt  }

// kernel: kernel.8.cloned.1.call-start
scs
__scs_entry_jumppad:
0x0: {  	(pc) =	sbr.rel $0x88, $3  }
0x1: {  	(tag) =	ssettag $0x0;
	lr =	simm.s32 $0x1  }
0x2: {  	[smem:$0x3F92] =	sst lr;
	_ =	strace $0xD0000000  }
0x3: {  	_ = 	snop  }
0x4: {  	_ = 	snop  }
0x5: {  	_ = 	snop  }
0x6: {  	_ = 	snop  }
0x7: {  	_ = 	snop  }
__scs_overlays_trampoline_lowered:
0x8: {  	[smem:$0x3FA1] =	sst s0  }
0x9: {  	[smem:$0x3FA2] =	sst s1  }
0xa: {  	[smem:$0x3FA3] =	sst s2  }
0xb: {  	[smem:$0x3FA4] =	sst s3  }
0xc: {  	[smem:$0x3FA5] =	sst s4  }
0xd: {  	[smem:$0x3FA6] =	sst s5  }
0xe: {  	[smem:$0x3FA7] =	sst s6  }
0xf: {  	[smem:$0x3FA8] =	sst s7  }
0x10: {  	[smem:$0x3FA9] =	sst s8  }
0x11: {  	[smem:$0x3FAA] =	sst s9;
	s0 =	simm.s32 @!p0 $0x0  }
0x12: {  	s1 =	sld [smem:$0x3F90];
	s0 =	simm.s32 @p0 $0x1  }
0x13: {  	[smem:$0x3FAB] =	sst s0;
	s0 =	simm.s32 @!p1 $0x0  }
0x14: {  	s2 =	sld [smem:$0x3F8F];
	s0 =	simm.s32 @p1 $0x1  }
0x15: {  	[smem:$0x3FAC] =	sst s0;
	s0 =	simm.s32 @!p2 $0x0  }
0x16: {  	s3 =	sld [smem:$0x3FDB];
	s0 =	simm.s32 @p2 $0x1  }
0x17: {  	s4 =	simm.s32 $0x1BF5;
	[smem:$0x3FAE] =	sst s0  }
0x18: {  	s0 =	sld [smem:$0x3F91];
	_ =	swait.ge [sflag:s4], $0x0  }
0x19: {  	s7 =	sld [smem:$0x3F92]  }
0x1a: {  	s8 =	sadd.s32 $0xFFFFE003, lr  }
0x1b: {  	s9 =	sadd.s32 $0xFFFFFEF7, lr;
	s5 =	simm.s32 $0xFFFFFFFF;
	p2 =	slt.u32 s8, $0xFFFFF086  }
0x1c: {  	p1 =	slt.u32 s9, $0xF7A;
	s5 =	simm.s32 @!p2 $0x0  }
0x1d: {  	s5 =	simm.s32 @p1 $0x1;
	p0 =	seq.s32 s7, s2  }
0x1e: {  	s7 =	smul.u32 @!p0 $0xF7A, s2;
	p2 =	seq.s32 @!p0 s5, $0x0  }
0x1f: {  	s9 =	smul.u32 $0xF7A, s1;
	s8 =	simm.s32 @!p0 $0x1BF5;
	p2 =	por !p2, p0  }
0x20: {  	[sflag:s8] =	ssyncset.s32 @!p0 $0xFFFFF086;
	s6 =	sadd.s32 @!p0 s3, s7;
	s7 =	simm.s32 @!p0 $0x108  }
0x21: {  	s3 =	sadd.s32 s3, s9;
	s6 =	sadd.s32 @!p0 $0x88, s6;
	s7 =	simm.s32 @p2 $0x1082  }
0x22: {  	[simem:s7], [sflag:s8] =	dma.local @!p0 [hbm:s6], $0xF7A  }
0x23: {  	s9 =	sor.u32 $0xD0000000, s2;
	s6 =	simm.s32 $0x108;
	_ =	swait.ge @!p0 [sflag:s8], $0x0  }
0x24: {  	s3 =	sadd.s32 $0x88, s3;
	s6 =	simm.s32 @!p1 $0x1082;
	[sflag:s4] =	ssyncset.s32 $0xFFFFF086  }
0x25: {  	[simem:s6], [sflag:s4] =	dma.local [hbm:s3], $0xF7A  }
0x26: {  	[smem:$0x3F92] =	sst s1;
	(tag) =	ssettag s2;
	_ =	strace s9  }
0x27: {  	s1 =	sld [smem:$0x3FA2]  }
0x28: {  	s2 =	sld [smem:$0x3FA3]  }
0x29: {  	s4 =	sld [smem:$0x3FA5]  }
0x2a: {  	p0 =	seq.s32 s5, $0x0;
	s5 =	sld [smem:$0x3FA6]  }
0x2b: {  	s6 =	sld [smem:$0x3FA7]  }
0x2c: {  	s7 =	sld [smem:$0x3FA8]  }
0x2d: {  	s3 =	simm.s32 $0x108;
	s8 =	sld [smem:$0x3FA9]  }
0x2e: {  	s3 =	simm.s32 @!p0 $0x1082;
	s9 =	sld [smem:$0x3FAA]  }
0x2f: {  	lr =	sadd.s32 s0, s3;
	s0 =	sld [smem:$0x3FA1]  }
0x30: {  	s3 =	sld [smem:$0x3FA4]  }
0x31: {  	[smem:$0x3FAD] =	sst s10  }
0x32: {  	s10 =	sld [smem:$0x3FAB];
	_ =	sdelay $0x3  }
0x33: {  	p0 =	seq.s32 s10, $0x1;
	s10 =	sld [smem:$0x3FAD];
	_ =	sdelay $0x3  }
0x34: {  	[smem:$0x3FAD] =	sst s10  }
0x35: {  	s10 =	sld [smem:$0x3FAC];
	_ =	sdelay $0x3  }
0x36: {  	p1 =	seq.s32 s10, $0x1;
	s10 =	sld [smem:$0x3FAD];
	_ =	sdelay $0x3  }
0x37: {  	[smem:$0x3FAD] =	sst s10  }
0x38: {  	s10 =	sld [smem:$0x3FAE]  }
0x39: {  	_ = 	snop;
	(pc) =	sbr.ind lr, $3  }
0x3a: {  	_ = 	snop  }
0x3b: {  	_ = 	snop  }
0x3c: {  	p2 =	seq.s32 s10, $0x1;
	s10 =	sld [smem:$0x3FAD]  }
0x3d: {  	_ =	shalt  }
0x3e: {  	_ =	shalt  }
0x3f: {  	_ =	shalt  }
0x40: {  	_ =	shalt  }
0x41: {  	_ =	shalt  }
0x42: {  	_ =	shalt  }
0x43: {  	_ =	shalt  }
0x44: {  	_ =	shalt  }
0x45: {  	_ =	shalt  }
0x46: {  	_ =	shalt  }
0x47: {  	_ =	shalt  }
0x48: {  	_ =	shalt  }
0x49: {  	_ =	shalt  }
0x4a: {  	_ =	shalt  }
0x4b: {  	_ =	shalt  }
0x4c: {  	_ =	shalt  }
0x4d: {  	_ =	shalt  }
0x4e: {  	_ =	shalt  }
0x4f: {  	_ =	shalt  }
0x50: {  	_ =	shalt  }
0x51: {  	_ =	shalt  }
0x52: {  	_ =	shalt  }
0x53: {  	_ =	shalt  }
0x54: {  	_ =	shalt  }
0x55: {  	_ =	shalt  }
0x56: {  	_ =	shalt  }
0x57: {  	_ =	shalt  }
0x58: {  	_ =	shalt  }
0x59: {  	_ =	shalt  }
0x5a: {  	_ =	shalt  }
0x5b: {  	_ =	shalt  }
0x5c: {  	_ =	shalt  }
0x5d: {  	_ =	shalt  }
0x5e: {  	_ =	shalt  }
0x5f: {  	_ =	shalt  }
0x60: {  	_ =	shalt  }
0x61: {  	_ =	shalt  }
0x62: {  	_ =	shalt  }
0x63: {  	_ =	shalt  }
0x64: {  	_ =	shalt  }
0x65: {  	_ =	shalt  }
0x66: {  	_ =	shalt  }
0x67: {  	_ =	shalt  }
0x68: {  	_ =	shalt  }
0x69: {  	_ =	shalt  }
0x6a: {  	_ =	shalt  }
0x6b: {  	_ =	shalt  }
0x6c: {  	_ =	shalt  }
0x6d: {  	_ =	shalt  }
0x6e: {  	_ =	shalt  }
0x6f: {  	_ =	shalt  }
0x70: {  	_ =	shalt  }
0x71: {  	_ =	shalt  }
0x72: {  	_ =	shalt  }
0x73: {  	_ =	shalt  }
0x74: {  	_ =	shalt  }
0x75: {  	_ =	shalt  }
0x76: {  	_ =	shalt  }
0x77: {  	_ =	shalt  }
0x78: {  	_ =	shalt  }
0x79: {  	_ =	shalt  }
0x7a: {  	_ =	shalt  }
0x7b: {  	_ =	shalt  }
0x7c: {  	_ =	shalt  }
0x7d: {  	_ =	shalt  }
0x7e: {  	_ =	shalt  }
0x7f: {  	_ =	shalt  }
0x80: {  	_ =	shalt  }
0x81: {  	_ =	shalt  }
0x82: {  	_ =	shalt  }
0x83: {  	_ =	shalt  }
0x84: {  	_ =	shalt  }
0x85: {  	_ =	shalt  }
0x86: {  	_ =	shalt  }
0x87: {  	_ =	shalt  }
.Lfunc_end0:
.L_simem_size_0:
called_computation_lowered:
.L_overlay_start_0:
0x88: {  	s2 =	sld [smem:$0x3FD9]  }
0x89: {  	s3 =	sld [smem:$0x3FFE];
	_ =	sdelay $0x1  }
0x8a: {  	s1 =	srdreg.scid  }
0x8b: {  	s0 =	sand.u32 $0x1, s1  }
0x8c: {  	s16 =	sshll.u32 s0, $0xA;
	s2 =	sadd.s32 s3, s2  }
0x8d: {  	s2 =	sadd.s32 s2, s16  }
0x8e: {  	[smem:$0x3FB9] =	sst s2  }
0x8f: {  	_ = 	snop  }
0x90: {  	(tm) =	ssettm $0x1  }
0x91: {  	s17 =	sld [smem:$0x3FFB];
	_ =	sdelay $0x3  }
0x92: {  	_ =	strace s17  }
0x93: {  	s2 =	sld [smem:$0x3FFC];
	_ =	sdelay $0x3  }
0x94: {  	_ =	strace s2  }
0x95: {  	s2 =	sld [smem:$0x3FFD];
	_ =	sdelay $0x3  }
0x96: {  	_ =	strace s2  }
0x97: {  	_ =	strace $0x8FFFFFFF  }
0x98: {  	s18 =	sld [smem:$0x3FDB];
	_ =	sdelay $0x1  }
0x99: {  	s19 =	simm.s32 $_scs_section_size  }
0x9a: {  	s4 =	simm.s32 $_size__tile_overlayer_lowered;
	s5 =	simm.s32 $_tile_overlayer_lowered  }
0x9b: {  	s22 =	simm.s32 $0x1BFF;
	s21 =	sshll.u32 s5, $0x1;
	s2 =	sadd.s32 s19, s18  }
0x9c: {  	s6 =	simm.s32 $0x0;
	s20 =	sshll.u32 s4, $0x1;
	s4 =	sadd.s32 s21, s2  }
0x9d: {  	[timem:s6], [sflag:s22] =	dma.local [hbm:s4], s20  }
0x9e: {  	_ =	swait.ge [sflag:s22], s20  }
0x9f: {  	s3 =	ssub.s32 $0x0, s20;
	[sflag:s22] =	ssyncset.done $0x0  }
0xa0: {  	[sflag:s22] =	ssyncadd.s32 s3;
	_ =	sdelay $0x1  }
0xa1: {  	s23 =	simm.s32 $0x1B8B  }
0xa2: {  	_ =	swait.ge [sflag:s23], $0x1  }
0xa3: {  	[sflag:s23] =	ssyncset.done $0x0  }
0xa4: {  	s25 =	simm.s32 $0x1B8E;
	s24 =	sld [smem:$0x3FFE];
	[sflag:s23] =	ssyncadd.s32 $0xFFFFFFFF  }
0xa5: {  	s26 =	simm.s32 $execute0_lowered;
	[smem:$0x3FD2] =	sst s25  }
0xa6: {  	s4 =	sshll.u32 s26, $0x1;
	_ =	strace $0x80000046;
	[dreg:$0x1] =	wrdreg $0xFFFFFFFF  }
0xa7: {  	s28 =	simm.s32 $_size_execute0_lowered;
	s2 =	sadd.s32 s2, s4;
	[dreg:$0x0] =	wrdreg $0x0  }
0xa8: {  	s4 =	sshll.u32 s28, $0x1;
	[dreg:$0x2] =	wrdreg s2  }
0xa9: {  	[dreg:$0x3] =	wrdreg s4  }
0xaa: {  	[dreg:$0x4] =	wrdreg $0xC0  }
0xab: {  	_ =	task [dreg:s6], $0x5FFFF  }
0xac: {  	[dreg:$0x1] =	wrdreg $0xFFFFFFFF  }
0xad: {  	[dreg:$0x0] =	wrdreg $0x60  }
0xae: {  	[dreg:$0x2] =	wrdreg s24  }
0xaf: {  	[dreg:$0x3] =	wrdreg $0x55F00  }
0xb0: {  	[dreg:$0x4] =	wrdreg $0x9  }
0xb1: {  	_ =	task.clear_ibuf [dreg:s6], $0x5FFFF;
	_ =	strace $0x90000046  }
0xb2: {  	s29 =	simm.s32 $0x9;
	_ =	strace $0x80000048  }
0xb3: {  	_ =	swait.ge [sflag:s29], $0x1  }
0xb4: {  	[sflag:s29] =	ssyncadd.s32 $0xFFFFFFFF  }
0xb5: {  	_ =	strace $0x90000048  }
0xb6: {  	_ =	sfence  }
0xb7: {  	s30 =	sld [smem:$0x0];
	_ =	sdelay $0x2  }
0xb8: {  	s31 =	sshll.u32 s1, $0xD;
	s1 =	sshrl.u32 s1, $0x2  }
0xb9: {  	s3 =	sand.u32 $0x4000, s31;
	s1 =	sadd.s32 s1, s30  }
0xba: {  	s0 =	sor.u32 s3, s0;
	s1 =	sshll.u32 s1, $0x11  }
0xbb: {  	s0 =	sor.u32 s1, s0  }
0xbc: {  	s0 =	sadd.s32 $0x8F2B, s0  }
0xbd: {  	[sflag:s0] =	ssyncadd.remote.s32 $0x1  }
0xbe: {  	_ =	sfence.sel $0xFFFF  }
0xbf: {  	[dreg:$0x0] =	wrdreg $0xFFFFFFFF;
	(pc) =	sbr.abs _section_cstart, $3  }
0xc0: {  	[dreg:$0x1] =	wrdreg $0xFFFFFFFF  }
0xc1: {  	_ =	task.clear_ibuf [dreg:s6], $0x2FFFF;
	_ =	strace $0x9FFFFFFF  }
0xc2: {  	(tm) =	ssettm $0x7FFFFFFF  }
0xc3: {  	_ =	shalt  }
tec
execute0_lowered:
.L_overlay_start_1:
0x0: {  	(tag) =	ssettag $0x1  }
0x1: {  	s4 =	rddreg [dreg:$0x0]  }
0x2: {  	s2 =	rddreg [dreg:$0x1];
	s3 =	srdreg.scid  }
0x3: {  	s1 =	stileid.u32;
	s0 =	rddreg [dreg:$0x2];
	s10 =	simm.s32 $0x64  }
0x4: {  	s11 =	simm.s32 $0x28A0;
	s12 =	simm.s32 $0x1;
	s13 =	simm.s32 $0x2  }
0x5: {  	s14 =	simm.s32 $0x2838;
	s5 =	sand.u32 $0x1, s3;
	s6 =	smul.u32 $0x2710, s1  }
0x6: {  	s3 =	simm.s32 $0x0;
	s7 =	sshll.u32 s5, $0x4;
	s8 =	smul.u32 $0x27100, s5  }
0x7: {  	s15 =	simm.s32 $0x0;
	[smem:$0x7FF] =	sst s3;
	s7 =	sor.u32 s1, s7  }
0x8: {  	s5 =	ssub.s32 $0x2, s5;
	s7 =	smul.u32 $0x514, s7;
	s8 =	sadd.s32 s6, s8  }
0x9: {  	_ =	strace $0x80000047;
	s9 =	sshrl.u32 s5, $0x1;
	s8 =	sshrl.u32 s8, $0x3  }
0xa: {  	s9 =	ssub.s32 s5, s9;
	s7 =	sadd.s32 s7, s4;
	s8 =	sadd.s32 s8, s4  }
0xb: {  	s5 =	sadd.s32 s6, s2;
	s4 =	sadd.s32 $0x2600, s7;
	s6 =	sadd.s32 $0xCA00, s8  }
0xc: {  	v0 =	vimm.f32 $1.000000000e+00;
	v1 =	vimm.f32 $0.0e+00;
	s7 =	smax.u32 s9, $0x1;
	s8 =	simm.s32 $0x3;
	s9 =	simm.s32 $0x2EE0  }
.LBB2_1:
0xd: {  	[tilespmem:s3], [sflag:$0x3] =	stream.linear.gather [hbm4b:s4+s3], $0x28A0, $0x38;
	[tilespmem:$0x7D00] =	vst v63  }
0xe: {  	_ =	swait.ge [sflag:s8], $0x28A0  }
0xf: {  	[sflag:s8] =	ssyncset.done $0x0  }
0x10: {  	s16 =	simm.s32 $0x0;
	[sflag:s8] =	ssyncadd.s32 $0xFFFFD760  }
.LBB2_2:
0x11: {  	p0 =	sne.s32 s16, $0x18C0  }
.Ltmp0:
0x12: {  	_ = 	snop;
	(pc) =	sbr.rel @p0 .LBB2_2-.Ltmp0, $3  }
0x13: {  	_ =	sdelay $0x1  }
0x14: {  	s17 =	sshra.s32 s16, $0x2  }
0x15: {  	s16 =	sadd.s32 $0x40, s16;
	[tilespmem:s17+$0x28A0] =	vst v0  }
0x16: {  	s16 =	simm.s32 $0x40;
	s17 =	simm.s32 $0x0  }
.LBB2_4:
0x17: {  	p0 =	sne.s32 s16, $0x9C00;
	[tilespmem:s17+$0x2EE0] =	vst v1;
	s17 =	smov.u32 s16;
	s16 =	sadd.s32 $0x40, s16  }
.Ltmp1:
0x18: {  	(pc) =	sbr.rel @p0 .LBB2_4-.Ltmp1, $2  }
0x19: {  	_ =	sdelay $0x2  }
0x1a: {  	s17 =	sshra.s32 s17, $0x2  }
0x1b: {  	[tilespmem:s17+$0x2EE0] =	vst v1  }
0x1c: {  	[spmem:s5] =	stream.linear.scatter [tilespmem:s9], [sflag:$0x3], $0x2710, $0x38;
	[tilespmem:$0x7D00] =	vst v63  }
0x1d: {  	_ =	swait.ge [sflag:s8], $0x2710  }
0x1e: {  	[sflag:s8] =	ssyncset.done $0x0  }
0x1f: {  	[sflag:s8] =	ssyncadd.s32 $0xFFFFD8F0  }
0x20: {  	[bflag:$0x0] =	sbarrier.arrive $0xFFFF  }
0x21: {  	[spmem:s2] =	stream.indirect.scatter.add.f32 [tilespmem:s11], [sflag:$0x1], $0x10, s3, s10, $0xb8;
	[tilespmem:$0x7D00] =	vst v63  }
0x22: {  	s16 =	simm.s32 $0x68  }
0x23: {  	[spmem:s2] =	stream.indirect.scatter.add.f32 [tilespmem:s11], [sflag:$0x2], $0x10, s16, s10, $0xb8;
	[tilespmem:$0x7D00] =	vst v63  }
0x24: {  	_ =	swait.ge [sflag:s12], $0x640  }
0x25: {  	[sflag:s12] =	ssyncset.done $0x0  }
0x26: {  	s31 =	simm.s32 $0xD0;
	[sflag:s12] =	ssyncadd.s32 $0xFFFFF9C0  }
0x27: {  	[spmem:s2] =	stream.indirect.scatter.add.f32 [tilespmem:s11], [sflag:$0x1], $0x10, s31, s10, $0xb8;
	[tilespmem:$0x7D00] =	vst v63  }
0x28: {  	_ =	swait.ge [sflag:s13], $0x640  }
0x29: {  	s17 =	simm.s32 $0xFFFF6740;
	s16 =	simm.s32 $0xFFFFD900;
	[sflag:s13] =	ssyncset.done $0x0  }
.LBB2_6:
0x2a: {  	s18 =	sadd.s32 $0x2838, s16  }
0x2b: {  	[sflag:s13] =	ssyncadd.s32 $0xFFFFF9C0;
	s19 =	smov.u32 s17;
	s20 =	sadd.s32 $0x340, s17  }
0x2c: {  	[spmem:s2] =	stream.indirect.scatter.add.f32 [tilespmem:s11], [sflag:$0x2], $0x10, s18, s10, $0xb8;
	[tilespmem:$0x7D00] =	vst v63  }
0x2d: {  	p0 =	sne.s32 s17, $0xFFFFFCC0;
	_ =	swait.ge [sflag:s12], $0x640  }
.Ltmp2:
0x2e: {  	[sflag:s12] =	ssyncset.done $0x0;
	(pc) =	sbr.rel @p0 .LBB2_6-.Ltmp2, $4  }
0x2f: {  	s16 =	sadd.s32 $0x28A0, s16;
	[sflag:s12] =	ssyncadd.s32 $0xFFFFF9C0  }
0x30: {  	[spmem:s2] =	stream.indirect.scatter.add.f32 [tilespmem:s11], [sflag:$0x1], $0x10, s16, s10, $0xb8;
	[tilespmem:$0x7D00] =	vst v63  }
0x31: {  	_ =	swait.ge [sflag:s13], $0x640  }
0x32: {  	s17 =	smov.u32 s20;
	s16 =	sshra.s32 s19, $0x2;
	[sflag:s13] =	ssyncset.done $0x0  }
0x33: {  	s17 =	sadd.s32 $0x2838, s16;
	[sflag:s13] =	ssyncadd.s32 $0xFFFFF9C0  }
0x34: {  	[spmem:s2] =	stream.indirect.scatter.add.f32 [tilespmem:s11], [sflag:$0x2], $0x10, s17, s10, $0xb8;
	[tilespmem:$0x7D00] =	vst v63  }
0x35: {  	_ =	swait.ge [sflag:s12], $0x640  }
0x36: {  	[sflag:s12] =	ssyncset.done $0x0  }
0x37: {  	s31 =	sadd.s32 $0x28A0, s16;
	[sflag:s12] =	ssyncadd.s32 $0xFFFFF9C0  }
0x38: {  	[spmem:s2] =	stream.indirect.scatter.add.f32 [tilespmem:s11], [sflag:$0x1], $0x10, s31, s10, $0xb8;
	[tilespmem:$0x7D00] =	vst v63  }
0x39: {  	_ =	swait.ge [sflag:s13], $0x640  }
0x3a: {  	[sflag:s13] =	ssyncset.done $0x0  }
0x3b: {  	[sflag:s13] =	ssyncadd.s32 $0xFFFFF9C0  }
0x3c: {  	[spmem:s2] =	stream.indirect.scatter.add.f32 [tilespmem:s11], [sflag:$0x2], $0x10, s14, s10, $0xb8;
	[tilespmem:$0x7D00] =	vst v63  }
0x3d: {  	_ =	swait.ge [sflag:s12], $0x640  }
0x3e: {  	[sflag:s12] =	ssyncset.done $0x0  }
0x3f: {  	[sflag:s12] =	ssyncadd.s32 $0xFFFFF9C0  }
0x40: {  	_ =	swait.ge [sflag:s13], $0x640  }
0x41: {  	[sflag:s13] =	ssyncset.done $0x0  }
0x42: {  	[sflag:s13] =	ssyncadd.s32 $0xFFFFF9C0  }
0x43: {  	[bflag:$0x0] =	sbarrier.arrive $0xFFFF  }
0x44: {  	[tilespmem:s9], [sflag:$0x3] =	stream.linear.gather [spmem:s5], $0x2710, $0x38;
	[tilespmem:$0x7D00] =	vst v63  }
0x45: {  	s15 =	sadd.s32 $0x1, s15;
	_ =	swait.ge [sflag:s8], $0x2710  }
0x46: {  	p0 =	sne.s32 s15, s7;
	[sflag:s8] =	ssyncset.done $0x0  }
.Ltmp3:
0x47: {  	[sflag:s8] =	ssyncadd.s32 $0xFFFFD8F0;
	(pc) =	sbr.rel @p0 .LBB2_1-.Ltmp3, $4  }
0x48: {  	[hbm4b:s6+s3] =	stream.linear.scatter [tilespmem:s9], [sflag:$0x3], $0x2710, $0x38;
	[tilespmem:$0x7D00] =	vst v63  }
0x49: {  	_ =	swait.ge [sflag:s8], $0x2710  }
0x4a: {  	[sflag:s8] =	ssyncset.done $0x0  }
0x4b: {  	[sflag:s8] =	ssyncadd.s32 $0xFFFFD8F0  }
0x4c: {  	_ =	sfence.sel $0x180000  }
0x4d: {  	[bflag:$0x0] =	sbarrier.arrive $0xFFFF  }
0x4e: {  	p0 =	sne.s32 s1, $0x0;
	_ =	strace $0x90000047  }
0x4f: {  	s0 =	sadd.s32 @!p0 $0x100000, s0;
	[bflag:$0x2] =	sbarrier.arrive $0xFFFF  }
0x50: {  	[sflag:s0] =	ssyncadd.tile.s32 @!p0 $0x1;
	_ =	shalt  }
.Lfunc_end2:
_tile_overlayer_lowered:
.L_overlay_start_2:
0x51: {  	(tag) =	ssettag $0x2  }
0x52: {  	s0 =	rddreg [dreg:$0x0];
	s2 =	stileid.u32  }
0x53: {  	s1 =	rddreg [dreg:$0x1];
	p0 =	sne.s32 s2, $0x0  }
0x54: {  	s3 =	rddreg [dreg:$0x2];
	[bflag:$0x3] =	sbarrier.arrive $0xFFFF;
	s2 =	simm.s32 @!p0 $0x1C03  }
0x55: {  	[timem:s3], [sflag:s2] =	dma.local @!p0 [hbm:s0], s1  }
0x56: {  	s0 =	simm.s32 @!p0 $0x3  }
0x57: {  	_ =	swait.ge @!p0 [sflag:s0], s1  }
0x58: {  	s1 =	ssub.s32 @!p0 $0x0, s1;
	[sflag:s0] =	ssyncset.done @!p0 $0x0  }
0x59: {  	[sflag:s0] =	ssyncadd.s32 @!p0 s1  }
0x5a: {  	[bflag:$0x3] =	sbarrier.arrive $0xFFFF  }
0x5b: {  	_ =	shalt  }

</sc_bundles>
